<compile_context>
chip_gen: v7x
topology: tpu7x:2x2x1
jax: 0.10.2.dev20260603
libtpu: 0.0.44.dev20260713+nightly
codegen_flags: <defaults>
</compile_context>

<pallas_src>
import jax
import jax.numpy as jnp
from jax import lax
from jax.experimental import pallas as pl
from jax.experimental.pallas import tpu as pltpu
from jax.experimental.pallas import tpu_sc as plsc

N_NODES = 10000
N_PAD = 10240
D = 128
E = 320000

NC = 2
NS = 16
NHALF = N_NODES // NC
TRASH = NHALF
ACC_ROWS = NHALF + 8
E_PER_T = E // NS
CHUNK = 96
NCHUNK = E_PER_T // CHUNK
ROWS_A = 312
HR = N_PAD // D

BN = 1024
BM = 1000


def _mm_body(x_ref, w_ref, y_ref):
    y_ref[...] = lax.dot_general(
        x_ref[...], w_ref[...], (((1,), (1,)), ((), ())),
        preferred_element_type=jnp.float32)


def _matmul_wt(x, w):
    return pl.pallas_call(
        _mm_body,
        grid=(N_NODES // BM,),
        in_specs=[pl.BlockSpec((BM, D), lambda i: (i, 0)),
                  pl.BlockSpec((D, D), lambda i: (0, 0))],
        out_specs=pl.BlockSpec((BM, D), lambda i: (i, 0)),
        out_shape=jax.ShapeDtypeStruct((N_NODES, D), jnp.float32),
    )(x, w)


def _sc_body(y_hbm, src_hbm, dst_hbm, z2_hbm,
             acc_out, deg_out,
             src_v, dst_v, sbuf0_v, dbuf0_v,
             rows0_v, hist_v, iota_v,
             acc_sh, deg_sh, sem_g0):
    c = lax.axis_index("c")
    s = lax.axis_index("s")

    pltpu.sync_copy(src_hbm.at[s], src_v)
    pltpu.sync_copy(dst_hbm.at[s], dst_v)

    iota16 = lax.iota(jnp.int32, 16)
    for k in range(HR // 16):
        iota_v[pl.ds(k * 16, 16)] = iota16 + (16 * k)

    def zbody(i, carry):
        for k in range(D // 16):
            hist_v[i, pl.ds(k * 16, 16)] = jnp.zeros((16,), jnp.float32)
        return carry
    lax.fori_loop(0, HR, zbody, 0)

    base = s * ROWS_A
    pltpu.sync_copy(z2_hbm.at[pl.ds(0, ROWS_A)], acc_sh.at[pl.ds(base, ROWS_A)])

    @pl.when(s == NS - 1)
    def _():
        pltpu.sync_copy(z2_hbm.at[pl.ds(0, ACC_ROWS - NS * ROWS_A)],
                        acc_sh.at[pl.ds(NS * ROWS_A, ACC_ROWS - NS * ROWS_A)])

    @pl.when(s == 0)
    def _():
        pltpu.sync_copy(z2_hbm.at[pl.ds(0, HR)], deg_sh)

    plsc.subcore_barrier()

    ones16 = jnp.ones((16,), jnp.float32)
    lo_bound = c * NHALF

    def pa(i, cnt):
        s16 = src_v[pl.ds(i * 16, 16)]
        d16 = dst_v[pl.ds(i * 16, 16)]
        local = d16 - lo_bound
        valid = (local >= 0) & (local < NHALF)
        hi = lax.shift_right_logical(d16, 7)
        lo = lax.bitwise_and(d16, 127)
        plsc.addupdate_scatter(hist_v, [hi, lo], ones16, mask=valid)
        plsc.store_compressed(src_v.at[pl.ds(cnt, 16)], s16, mask=valid)
        plsc.store_compressed(dst_v.at[pl.ds(cnt, 16)], local, mask=valid)
        return cnt + jnp.sum(valid.astype(jnp.int32))

    cnt = lax.fori_loop(0, E_PER_T // 16, pa, 0)

    nch = (cnt + CHUNK - 1) // CHUNK

    def fill(a, sbuf, dbuf):
        for k in range(CHUNK // 16):
            pos16 = iota16 + (a + k * 16)
            live = pos16 < cnt
            s16 = src_v[pl.ds(a + k * 16, 16)]
            d16 = dst_v[pl.ds(a + k * 16, 16)]
            sbuf[pl.ds(k * 16, 16)] = jnp.where(live, s16, 0)
            dbuf[pl.ds(k * 16, 16)] = jnp.where(live, d16, TRASH)

    def pb(p, carry):
        a = p * CHUNK
        fill(a, sbuf0_v, dbuf0_v)
        c0 = pltpu.async_copy(y_hbm.at[sbuf0_v], rows0_v, sem_g0)
        c0.wait()
        pltpu.sync_copy(rows0_v, acc_sh.at[dbuf0_v], add=True)
        return carry

    lax.fori_loop(0, nch, pb, 0)

    pltpu.sync_copy(hist_v, deg_sh.at[iota_v], add=True)

    plsc.subcore_barrier()

    pltpu.sync_copy(acc_sh.at[pl.ds(base, ROWS_A)],
                    acc_out.at[pl.ds(c * NHALF + base, ROWS_A)])

    @pl.when(s == NS - 1)
    def _():
        pltpu.sync_copy(acc_sh.at[pl.ds(NS * ROWS_A, NHALF - NS * ROWS_A)],
                        acc_out.at[pl.ds(c * NHALF + NS * ROWS_A,
                                         NHALF - NS * ROWS_A)])

    @pl.when(s == 0)
    def _():
        pltpu.sync_copy(deg_sh, deg_out.at[c])


def _sc_aggregate(y, src3, dst3, z2):
    mesh = plsc.VectorSubcoreMesh(core_axis_name="c", subcore_axis_name="s")
    return pl.kernel(
        _sc_body,
        out_type=(jax.ShapeDtypeStruct((N_NODES, D), jnp.float32),
                  jax.ShapeDtypeStruct((NC, HR, D), jnp.float32)),
        mesh=mesh,
        compiler_params=pltpu.CompilerParams(needs_layout_passes=False),
        scratch_types=[
            pltpu.VMEM((E_PER_T,), jnp.int32),
            pltpu.VMEM((E_PER_T,), jnp.int32),
            pltpu.VMEM((CHUNK,), jnp.int32),
            pltpu.VMEM((CHUNK,), jnp.int32),
            pltpu.VMEM((CHUNK, D), jnp.float32),
            pltpu.VMEM((HR, D), jnp.float32),
            pltpu.VMEM((HR,), jnp.int32),
            pltpu.VMEM_SHARED((ACC_ROWS, D), jnp.float32),
            pltpu.VMEM_SHARED((HR, D), jnp.float32),
            pltpu.SemaphoreType.DMA,
        ],
    )(y, src3, dst3, z2)


def _comb_body(acc_ref, deg_ref, x_ref, w_ref, b_ref, o_ref):
    degsum = deg_ref[0] + deg_ref[1]
    deg = jnp.maximum(degsum, 1.0)[:, None]
    xr = lax.dot_general(
        x_ref[...], w_ref[...], (((1,), (1,)), ((), ())),
        preferred_element_type=jnp.float32)
    o_ref[...] = acc_ref[...] / deg + xr + b_ref[...]


def _combine(acc, deg, x, w_r, b):
    nblk = N_PAD // BN
    return pl.pallas_call(
        _comb_body,
        grid=(nblk,),
        in_specs=[pl.BlockSpec((BN, D), lambda i: (i, 0)),
                  pl.BlockSpec((NC, BN), lambda i: (0, i)),
                  pl.BlockSpec((BN, D), lambda i: (i, 0)),
                  pl.BlockSpec((D, D), lambda i: (0, 0)),
                  pl.BlockSpec((1, D), lambda i: (0, 0))],
        out_specs=pl.BlockSpec((BN, D), lambda i: (i, 0)),
        out_shape=jax.ShapeDtypeStruct((N_NODES, D), jnp.float32),
    )(acc, deg, x, w_r, b)


def kernel(embedding, top_to_bottom_edge_index, W_l, b_l, W_r):
    src3 = top_to_bottom_edge_index[0].reshape(NS, E_PER_T)
    dst3 = top_to_bottom_edge_index[1].reshape(NS, E_PER_T)
    y = _matmul_wt(embedding, W_l)
    z2 = jnp.zeros((ROWS_A, D), jnp.float32)
    acc, deg = _sc_aggregate(y, src3, dst3, z2)
    out = _combine(acc, deg.reshape(NC, N_PAD), embedding, W_r,
                   b_l.reshape(1, D))
    return out

# --- scband reference (transcript-rebuilt; emitter-appended) ---
"""Pipeline reference for scband-top-to-bottom-layer-15590731285075 (READ-ONLY COPY).

The authoritative reference and input builder live on the scoring server;
editing this copy changes nothing except your own understanding.
"""

import jax, jax.numpy as jnp
import numpy as np

N_NODES = 10000
N_EDGES = 320000
D_IN = 128
D_OUT = 128

def setup_inputs(seed: int = 0) -> dict:
    key = jax.random.key(seed)
    k1, k2, k3, k4, k5 = jax.random.split(key, 5)
    embedding = jax.random.normal(k1, (N_NODES, D_IN), dtype=jnp.float32)
    edge_index = jax.random.randint(k2, (2, N_EDGES), 0, N_NODES, dtype=jnp.int32)
    # SAGEConv parameters: lin_l (applied to aggregated neighbors, has bias), lin_r (applied to root, no bias)
    scale = 1.0 / np.sqrt(D_IN)
    W_l = jax.random.uniform(k3, (D_OUT, D_IN), dtype=jnp.float32, minval=-scale, maxval=scale)
    b_l = jax.random.uniform(k4, (D_OUT,), dtype=jnp.float32, minval=-scale, maxval=scale)
    W_r = jax.random.uniform(k5, (D_OUT, D_IN), dtype=jnp.float32, minval=-scale, maxval=scale)
    return {"embedding": embedding, "top_to_bottom_edge_index": edge_index, "W_l": W_l, "b_l": b_l, "W_r": W_r}

def reference(embedding, top_to_bottom_edge_index, W_l, b_l, W_r):
    # PyG SAGEConv (aggr='mean'): out = lin_l(mean_{j in N(i)} x_j) + lin_r(x_i)
    src = top_to_bottom_edge_index[0]
    dst = top_to_bottom_edge_index[1]
    n = embedding.shape[0]
    msgs = jnp.take(embedding, src, axis=0)                     # gather: [E, D_IN]
    agg_sum = jax.ops.segment_sum(msgs, dst, num_segments=n)    # scatter-add: [N, D_IN]
    ones = jnp.ones((msgs.shape[0], 1), dtype=embedding.dtype)
    deg = jax.ops.segment_sum(ones, dst, num_segments=n)        # [N, 1]
    agg_mean = agg_sum / jnp.clip(deg, 1.0)
    out = agg_mean @ W_l.T + b_l + embedding @ W_r.T
    return out

if __name__ == "__main__":
    import jax
    _d = setup_inputs()
    print(jax.jit(kernel)(*tuple(_d.values())))

</pallas_src>

<mosaic_0001>
#map = affine_map<(d0, d1) -> (0, 0)>
#map1 = affine_map<(d0, d1) -> (0, 0, 0)>
module attributes {stable_mosaic.version = 14 : i64} {
  func.func @_sc_body(%arg0: i32, %arg1: i32, %arg2: memref<10000x128xf32, #tpu.memory_space<hbm>>, %arg3: memref<16x20000xi32, #tpu.memory_space<hbm>>, %arg4: memref<16x20000xi32, #tpu.memory_space<hbm>>, %arg5: memref<312x128xf32, #tpu.memory_space<hbm>>, %arg6: memref<10000x128xf32, #tpu.memory_space<hbm>>, %arg7: memref<2x80x128xf32, #tpu.memory_space<hbm>>, %arg8: memref<20000xi32, #tpu.memory_space<vmem>>, %arg9: memref<20000xi32, #tpu.memory_space<vmem>>, %arg10: memref<96xi32, #tpu.memory_space<vmem>>, %arg11: memref<96xi32, #tpu.memory_space<vmem>>, %arg12: memref<96x128xf32, #tpu.memory_space<vmem>>, %arg13: memref<80x128xf32, #tpu.memory_space<vmem>>, %arg14: memref<80xi32, #tpu.memory_space<vmem>>, %arg15: memref<5008x128xf32, #tpu.memory_space<vmem_shared>>, %arg16: memref<80x128xf32, #tpu.memory_space<vmem_shared>>, %arg17: memref<!tpu.dma_semaphore, #tpu.memory_space<semaphore_mem>>) attributes {dimension_semantics = [#tpu.dimension_semantics<core_parallel>, #tpu.dimension_semantics<subcore_parallel>], iteration_bounds = array<i64: 2, 16>, scalar_prefetch = 0 : i64, scratch_operands = 10 : i64, tpu.core_type = #tpu.core_type<sc_vector_subcore>, window_params = [{transform_indices = #map}, {transform_indices = #map}, {transform_indices = #map}, {transform_indices = #map}, {transform_indices = #map}, {transform_indices = #map1}]} {
    "tpu.region"() ({
      %run_scoped3A = tpu.sem_alloc : memref<!tpu.dma_semaphore, #tpu.memory_space<semaphore_mem>>
      %dma_start3A = arith.constant 0 : i32
      %dma_start3A_89 = tpu.memref_slice %arg3[%arg1, %dma_start3A] : memref<16x20000xi32, #tpu.memory_space<hbm>> -> memref<1x20000xi32, #tpu.memory_space<hbm>>
      %dma_start3A_90 = tpu.memref_squeeze %dma_start3A_89 : memref<1x20000xi32, #tpu.memory_space<hbm>> -> memref<20000xi32, #tpu.memory_space<hbm>>
      %dma_start3A_91 = arith.constant 0 : i32
      %dma_start3A_92 = tpu.memref_slice %arg3[%arg1, %dma_start3A_91] : memref<16x20000xi32, #tpu.memory_space<hbm>> -> memref<1x20000xi32, #tpu.memory_space<hbm>>
      %dma_start3A_93 = tpu.memref_squeeze %dma_start3A_92 : memref<1x20000xi32, #tpu.memory_space<hbm>> -> memref<20000xi32, #tpu.memory_space<hbm>>
      tpu.enqueue_dma source(%dma_start3A_93 : memref<20000xi32, #tpu.memory_space<hbm>>) target(%arg8 : memref<20000xi32, #tpu.memory_space<vmem>>) target_semaphore(%run_scoped3A : memref<!tpu.dma_semaphore, #tpu.memory_space<semaphore_mem>>)
      %dma_wait3A = arith.constant 0 : i32
      %dma_wait3A_94 = tpu.memref_slice %arg3[%arg1, %dma_wait3A] : memref<16x20000xi32, #tpu.memory_space<hbm>> -> memref<1x20000xi32, #tpu.memory_space<hbm>>
      %dma_wait3A_95 = tpu.memref_squeeze %dma_wait3A_94 : memref<1x20000xi32, #tpu.memory_space<hbm>> -> memref<20000xi32, #tpu.memory_space<hbm>>
      %dma_wait3A_96 = arith.constant 0 : i32
      %dma_wait3A_97 = tpu.memref_slice %arg3[%arg1, %dma_wait3A_96] : memref<16x20000xi32, #tpu.memory_space<hbm>> -> memref<1x20000xi32, #tpu.memory_space<hbm>>
      %dma_wait3A_98 = tpu.memref_squeeze %dma_wait3A_97 : memref<1x20000xi32, #tpu.memory_space<hbm>> -> memref<20000xi32, #tpu.memory_space<hbm>>
      tpu.wait_dma2 semaphore(%run_scoped3A : memref<!tpu.dma_semaphore, #tpu.memory_space<semaphore_mem>>) src(%dma_wait3A_98 : memref<20000xi32, #tpu.memory_space<hbm>>) dst(%arg8 : memref<20000xi32, #tpu.memory_space<vmem>>)
      tpu.yield
    }) : () -> ()
    "tpu.region"() ({
      %run_scoped3A = tpu.sem_alloc : memref<!tpu.dma_semaphore, #tpu.memory_space<semaphore_mem>>
      %dma_start3A = arith.constant 0 : i32
      %dma_start3A_89 = tpu.memref_slice %arg4[%arg1, %dma_start3A] : memref<16x20000xi32, #tpu.memory_space<hbm>> -> memref<1x20000xi32, #tpu.memory_space<hbm>>
      %dma_start3A_90 = tpu.memref_squeeze %dma_start3A_89 : memref<1x20000xi32, #tpu.memory_space<hbm>> -> memref<20000xi32, #tpu.memory_space<hbm>>
      %dma_start3A_91 = arith.constant 0 : i32
      %dma_start3A_92 = tpu.memref_slice %arg4[%arg1, %dma_start3A_91] : memref<16x20000xi32, #tpu.memory_space<hbm>> -> memref<1x20000xi32, #tpu.memory_space<hbm>>
      %dma_start3A_93 = tpu.memref_squeeze %dma_start3A_92 : memref<1x20000xi32, #tpu.memory_space<hbm>> -> memref<20000xi32, #tpu.memory_space<hbm>>
      tpu.enqueue_dma source(%dma_start3A_93 : memref<20000xi32, #tpu.memory_space<hbm>>) target(%arg9 : memref<20000xi32, #tpu.memory_space<vmem>>) target_semaphore(%run_scoped3A : memref<!tpu.dma_semaphore, #tpu.memory_space<semaphore_mem>>)
      %dma_wait3A = arith.constant 0 : i32
      %dma_wait3A_94 = tpu.memref_slice %arg4[%arg1, %dma_wait3A] : memref<16x20000xi32, #tpu.memory_space<hbm>> -> memref<1x20000xi32, #tpu.memory_space<hbm>>
      %dma_wait3A_95 = tpu.memref_squeeze %dma_wait3A_94 : memref<1x20000xi32, #tpu.memory_space<hbm>> -> memref<20000xi32, #tpu.memory_space<hbm>>
      %dma_wait3A_96 = arith.constant 0 : i32
      %dma_wait3A_97 = tpu.memref_slice %arg4[%arg1, %dma_wait3A_96] : memref<16x20000xi32, #tpu.memory_space<hbm>> -> memref<1x20000xi32, #tpu.memory_space<hbm>>
      %dma_wait3A_98 = tpu.memref_squeeze %dma_wait3A_97 : memref<1x20000xi32, #tpu.memory_space<hbm>> -> memref<20000xi32, #tpu.memory_space<hbm>>
      tpu.wait_dma2 semaphore(%run_scoped3A : memref<!tpu.dma_semaphore, #tpu.memory_space<semaphore_mem>>) src(%dma_wait3A_98 : memref<20000xi32, #tpu.memory_space<hbm>>) dst(%arg9 : memref<20000xi32, #tpu.memory_space<vmem>>)
      tpu.yield
    }) : () -> ()
    %iota3A = tpu.iota {dimensions = array<i32: 0>} : vector<16xi32>
    %add3A = arith.constant 0 : i32
    %add3A_0 = vector.broadcast %add3A : i32 to vector<16xi32>
    %add3A_1 = arith.addi %iota3A, %add3A_0 : vector<16xi32>
    %swap3A = arith.constant 0 : index
    %swap3A_2 = tpu.vector_load %arg14[%swap3A] {strides = array<i32>} : memref<80xi32, #tpu.memory_space<vmem>>, vector<16xi32>,
    tpu.vector_store %arg14[%swap3A], %add3A_1 {strides = array<i32>} : memref<80xi32, #tpu.memory_space<vmem>>, vector<16xi32>,
    %add3A_3 = arith.constant 16 : i32
    %add3A_4 = vector.broadcast %add3A_3 : i32 to vector<16xi32>
    %add3A_5 = arith.addi %iota3A, %add3A_4 : vector<16xi32>
    %swap3A_6 = arith.constant 16 : index
    %swap3A_7 = tpu.vector_load %arg14[%swap3A_6] {strides = array<i32>} : memref<80xi32, #tpu.memory_space<vmem>>, vector<16xi32>,
    tpu.vector_store %arg14[%swap3A_6], %add3A_5 {strides = array<i32>} : memref<80xi32, #tpu.memory_space<vmem>>, vector<16xi32>,
    %add3A_8 = arith.constant 32 : i32
    %add3A_9 = vector.broadcast %add3A_8 : i32 to vector<16xi32>
    %add3A_10 = arith.addi %iota3A, %add3A_9 : vector<16xi32>
    %swap3A_11 = arith.constant 32 : index
    %swap3A_12 = tpu.vector_load %arg14[%swap3A_11] {strides = array<i32>} : memref<80xi32, #tpu.memory_space<vmem>>, vector<16xi32>,
    tpu.vector_store %arg14[%swap3A_11], %add3A_10 {strides = array<i32>} : memref<80xi32, #tpu.memory_space<vmem>>, vector<16xi32>,
    %add3A_13 = arith.constant 48 : i32
    %add3A_14 = vector.broadcast %add3A_13 : i32 to vector<16xi32>
    %add3A_15 = arith.addi %iota3A, %add3A_14 : vector<16xi32>
    %swap3A_16 = arith.constant 48 : index
    %swap3A_17 = tpu.vector_load %arg14[%swap3A_16] {strides = array<i32>} : memref<80xi32, #tpu.memory_space<vmem>>, vector<16xi32>,
    tpu.vector_store %arg14[%swap3A_16], %add3A_15 {strides = array<i32>} : memref<80xi32, #tpu.memory_space<vmem>>, vector<16xi32>,
    %add3A_18 = arith.constant 64 : i32
    %add3A_19 = vector.broadcast %add3A_18 : i32 to vector<16xi32>
    %add3A_20 = arith.addi %iota3A, %add3A_19 : vector<16xi32>
    %swap3A_21 = arith.constant 64 : index
    %swap3A_22 = tpu.vector_load %arg14[%swap3A_21] {strides = array<i32>} : memref<80xi32, #tpu.memory_space<vmem>>, vector<16xi32>,
    tpu.vector_store %arg14[%swap3A_21], %add3A_20 {strides = array<i32>} : memref<80xi32, #tpu.memory_space<vmem>>, vector<16xi32>,
    %scan3A = arith.constant 0 : i32
    %scan3A_23 = arith.constant 0 : i32
    %scan3A_24 = arith.constant 80 : i32
    %scan3A_25 = arith.addi %scan3A_23, %scan3A_24 : i32
    %scan3A_26 = arith.constant 1 : i32
    scf.for %scan3A_89 = %scan3A_23 to %scan3A_25 step %scan3A_26  : i32 {
      %broadcast_in_dim3A_90 = arith.constant 0.000000e+00 : f32
      %broadcast_in_dim3A_91 = vector.broadcast %broadcast_in_dim3A_90 : f32 to vector<16xf32>
      %swap3A_92 = arith.index_cast %scan3A_89 : i32 to index
      %swap3A_93 = arith.constant 0 : index
      %swap3A_94 = tpu.vector_load %arg13[%swap3A_92, %swap3A_93] {strides = array<i32>} : memref<80x128xf32, #tpu.memory_space<vmem>>, vector<16xf32>,
      tpu.vector_store %arg13[%swap3A_92, %swap3A_93], %broadcast_in_dim3A_91 {strides = array<i32>} : memref<80x128xf32, #tpu.memory_space<vmem>>, vector<16xf32>,
      %broadcast_in_dim3A_95 = arith.constant 0.000000e+00 : f32
      %broadcast_in_dim3A_96 = vector.broadcast %broadcast_in_dim3A_95 : f32 to vector<16xf32>
      %swap3A_97 = arith.index_cast %scan3A_89 : i32 to index
      %swap3A_98 = arith.constant 16 : index
      %swap3A_99 = tpu.vector_load %arg13[%swap3A_97, %swap3A_98] {strides = array<i32>} : memref<80x128xf32, #tpu.memory_space<vmem>>, vector<16xf32>,
      tpu.vector_store %arg13[%swap3A_97, %swap3A_98], %broadcast_in_dim3A_96 {strides = array<i32>} : memref<80x128xf32, #tpu.memory_space<vmem>>, vector<16xf32>,
      %broadcast_in_dim3A_100 = arith.constant 0.000000e+00 : f32
      %broadcast_in_dim3A_101 = vector.broadcast %broadcast_in_dim3A_100 : f32 to vector<16xf32>
      %swap3A_102 = arith.index_cast %scan3A_89 : i32 to index
      %swap3A_103 = arith.constant 32 : index
      %swap3A_104 = tpu.vector_load %arg13[%swap3A_102, %swap3A_103] {strides = array<i32>} : memref<80x128xf32, #tpu.memory_space<vmem>>, vector<16xf32>,
      tpu.vector_store %arg13[%swap3A_102, %swap3A_103], %broadcast_in_dim3A_101 {strides = array<i32>} : memref<80x128xf32, #tpu.memory_space<vmem>>, vector<16xf32>,
      %broadcast_in_dim3A_105 = arith.constant 0.000000e+00 : f32
      %broadcast_in_dim3A_106 = vector.broadcast %broadcast_in_dim3A_105 : f32 to vector<16xf32>
      %swap3A_107 = arith.index_cast %scan3A_89 : i32 to index
      %swap3A_108 = arith.constant 48 : index
      %swap3A_109 = tpu.vector_load %arg13[%swap3A_107, %swap3A_108] {strides = array<i32>} : memref<80x128xf32, #tpu.memory_space<vmem>>, vector<16xf32>,
      tpu.vector_store %arg13[%swap3A_107, %swap3A_108], %broadcast_in_dim3A_106 {strides = array<i32>} : memref<80x128xf32, #tpu.memory_space<vmem>>, vector<16xf32>,
      %broadcast_in_dim3A_110 = arith.constant 0.000000e+00 : f32
      %broadcast_in_dim3A_111 = vector.broadcast %broadcast_in_dim3A_110 : f32 to vector<16xf32>
      %swap3A_112 = arith.index_cast %scan3A_89 : i32 to index
      %swap3A_113 = arith.constant 64 : index
      %swap3A_114 = tpu.vector_load %arg13[%swap3A_112, %swap3A_113] {strides = array<i32>} : memref<80x128xf32, #tpu.memory_space<vmem>>, vector<16xf32>,
      tpu.vector_store %arg13[%swap3A_112, %swap3A_113], %broadcast_in_dim3A_111 {strides = array<i32>} : memref<80x128xf32, #tpu.memory_space<vmem>>, vector<16xf32>,
      %broadcast_in_dim3A_115 = arith.constant 0.000000e+00 : f32
      %broadcast_in_dim3A_116 = vector.broadcast %broadcast_in_dim3A_115 : f32 to vector<16xf32>
      %swap3A_117 = arith.index_cast %scan3A_89 : i32 to index
      %swap3A_118 = arith.constant 80 : index
      %swap3A_119 = tpu.vector_load %arg13[%swap3A_117, %swap3A_118] {strides = array<i32>} : memref<80x128xf32, #tpu.memory_space<vmem>>, vector<16xf32>,
      tpu.vector_store %arg13[%swap3A_117, %swap3A_118], %broadcast_in_dim3A_116 {strides = array<i32>} : memref<80x128xf32, #tpu.memory_space<vmem>>, vector<16xf32>,
      %broadcast_in_dim3A_120 = arith.constant 0.000000e+00 : f32
      %broadcast_in_dim3A_121 = vector.broadcast %broadcast_in_dim3A_120 : f32 to vector<16xf32>
      %swap3A_122 = arith.index_cast %scan3A_89 : i32 to index
      %swap3A_123 = arith.constant 96 : index
      %swap3A_124 = tpu.vector_load %arg13[%swap3A_122, %swap3A_123] {strides = array<i32>} : memref<80x128xf32, #tpu.memory_space<vmem>>, vector<16xf32>,
      tpu.vector_store %arg13[%swap3A_122, %swap3A_123], %broadcast_in_dim3A_121 {strides = array<i32>} : memref<80x128xf32, #tpu.memory_space<vmem>>, vector<16xf32>,
      %broadcast_in_dim3A_125 = arith.constant 0.000000e+00 : f32
      %broadcast_in_dim3A_126 = vector.broadcast %broadcast_in_dim3A_125 : f32 to vector<16xf32>
      %swap3A_127 = arith.index_cast %scan3A_89 : i32 to index
      %swap3A_128 = arith.constant 112 : index
      %swap3A_129 = tpu.vector_load %arg13[%swap3A_127, %swap3A_128] {strides = array<i32>} : memref<80x128xf32, #tpu.memory_space<vmem>>, vector<16xf32>,
      tpu.vector_store %arg13[%swap3A_127, %swap3A_128], %broadcast_in_dim3A_126 {strides = array<i32>} : memref<80x128xf32, #tpu.memory_space<vmem>>, vector<16xf32>,
    }
    %scan3A_27 = arith.constant 80 : i32
    %mul3A = arith.constant 312 : i32
    %mul3A_28 = arith.muli %arg1, %mul3A : i32
    "tpu.region"() ({
      %run_scoped3A = tpu.sem_alloc : memref<!tpu.dma_semaphore, #tpu.memory_space<semaphore_mem>>
      %dma_start3A = arith.constant 0 : i32
      %dma_start3A_89 = tpu.memref_slice %arg15[%mul3A_28, %dma_start3A] : memref<5008x128xf32, #tpu.memory_space<vmem_shared>> -> memref<312x128xf32, #tpu.memory_space<vmem_shared>>
      %dma_start3A_90 = arith.constant 0 : i32
      %dma_start3A_91 = arith.constant 0 : i32
      %dma_start3A_92 = tpu.memref_slice %arg5[%dma_start3A_90, %dma_start3A_91] : memref<312x128xf32, #tpu.memory_space<hbm>> -> memref<312x128xf32, #tpu.memory_space<hbm>>
      tpu.enqueue_dma source(%dma_start3A_92 : memref<312x128xf32, #tpu.memory_space<hbm>>) target(%dma_start3A_89 : memref<312x128xf32, #tpu.memory_space<vmem_shared>>) target_semaphore(%run_scoped3A : memref<!tpu.dma_semaphore, #tpu.memory_space<semaphore_mem>>)
      %dma_wait3A = arith.constant 0 : i32
      %dma_wait3A_93 = tpu.memref_slice %arg15[%mul3A_28, %dma_wait3A] : memref<5008x128xf32, #tpu.memory_space<vmem_shared>> -> memref<312x128xf32, #tpu.memory_space<vmem_shared>>
      %dma_wait3A_94 = arith.constant 0 : i32
      %dma_wait3A_95 = arith.constant 0 : i32
      %dma_wait3A_96 = tpu.memref_slice %arg5[%dma_wait3A_94, %dma_wait3A_95] : memref<312x128xf32, #tpu.memory_space<hbm>> -> memref<312x128xf32, #tpu.memory_space<hbm>>
      tpu.wait_dma2 semaphore(%run_scoped3A : memref<!tpu.dma_semaphore, #tpu.memory_space<semaphore_mem>>) src(%dma_wait3A_96 : memref<312x128xf32, #tpu.memory_space<hbm>>) dst(%dma_wait3A_93 : memref<312x128xf32, #tpu.memory_space<vmem_shared>>)
      tpu.yield
    }) : () -> ()
    %eq3A = arith.constant 15 : i32
    %eq3A_29 = arith.cmpi eq, %arg1, %eq3A : i32
    %convert_element_type3A = arith.extui %eq3A_29 : i1 to i32
    %cond3A = arith.constant 0 : i32
    %cond3A_30 = arith.cmpi ne, %convert_element_type3A, %cond3A : i32
    scf.if %cond3A_30 {
      "tpu.region"() ({
        %run_scoped3A = tpu.sem_alloc : memref<!tpu.dma_semaphore, #tpu.memory_space<semaphore_mem>>
        %dma_start3A = arith.constant 4992 : i32
        %dma_start3A_89 = arith.constant 0 : i32
        %dma_start3A_90 = tpu.memref_slice %arg15[%dma_start3A, %dma_start3A_89] : memref<5008x128xf32, #tpu.memory_space<vmem_shared>> -> memref<16x128xf32, #tpu.memory_space<vmem_shared>>
        %dma_start3A_91 = arith.constant 0 : i32
        %dma_start3A_92 = arith.constant 0 : i32
        %dma_start3A_93 = tpu.memref_slice %arg5[%dma_start3A_91, %dma_start3A_92] : memref<312x128xf32, #tpu.memory_space<hbm>> -> memref<16x128xf32, #tpu.memory_space<hbm>>
        tpu.enqueue_dma source(%dma_start3A_93 : memref<16x128xf32, #tpu.memory_space<hbm>>) target(%dma_start3A_90 : memref<16x128xf32, #tpu.memory_space<vmem_shared>>) target_semaphore(%run_scoped3A : memref<!tpu.dma_semaphore, #tpu.memory_space<semaphore_mem>>)
        %dma_wait3A = arith.constant 4992 : i32
        %dma_wait3A_94 = arith.constant 0 : i32
        %dma_wait3A_95 = tpu.memref_slice %arg15[%dma_wait3A, %dma_wait3A_94] : memref<5008x128xf32, #tpu.memory_space<vmem_shared>> -> memref<16x128xf32, #tpu.memory_space<vmem_shared>>
        %dma_wait3A_96 = arith.constant 0 : i32
        %dma_wait3A_97 = arith.constant 0 : i32
        %dma_wait3A_98 = tpu.memref_slice %arg5[%dma_wait3A_96, %dma_wait3A_97] : memref<312x128xf32, #tpu.memory_space<hbm>> -> memref<16x128xf32, #tpu.memory_space<hbm>>
        tpu.wait_dma2 semaphore(%run_scoped3A : memref<!tpu.dma_semaphore, #tpu.memory_space<semaphore_mem>>) src(%dma_wait3A_98 : memref<16x128xf32, #tpu.memory_space<hbm>>) dst(%dma_wait3A_95 : memref<16x128xf32, #tpu.memory_space<vmem_shared>>)
        tpu.yield
      }) : () -> ()
    } else {
    }
    %eq3A_31 = arith.constant 0 : i32
    %eq3A_32 = arith.cmpi eq, %arg1, %eq3A_31 : i32
    %convert_element_type3A_33 = arith.extui %eq3A_32 : i1 to i32
    %cond3A_34 = arith.constant 0 : i32
    %cond3A_35 = arith.cmpi ne, %convert_element_type3A_33, %cond3A_34 : i32
    scf.if %cond3A_35 {
      "tpu.region"() ({
        %run_scoped3A = tpu.sem_alloc : memref<!tpu.dma_semaphore, #tpu.memory_space<semaphore_mem>>
        %dma_start3A = arith.constant 0 : i32
        %dma_start3A_89 = arith.constant 0 : i32
        %dma_start3A_90 = tpu.memref_slice %arg5[%dma_start3A, %dma_start3A_89] : memref<312x128xf32, #tpu.memory_space<hbm>> -> memref<80x128xf32, #tpu.memory_space<hbm>>
        tpu.enqueue_dma source(%dma_start3A_90 : memref<80x128xf32, #tpu.memory_space<hbm>>) target(%arg16 : memref<80x128xf32, #tpu.memory_space<vmem_shared>>) target_semaphore(%run_scoped3A : memref<!tpu.dma_semaphore, #tpu.memory_space<semaphore_mem>>)
        %dma_wait3A = arith.constant 0 : i32
        %dma_wait3A_91 = arith.constant 0 : i32
        %dma_wait3A_92 = tpu.memref_slice %arg5[%dma_wait3A, %dma_wait3A_91] : memref<312x128xf32, #tpu.memory_space<hbm>> -> memref<80x128xf32, #tpu.memory_space<hbm>>
        tpu.wait_dma2 semaphore(%run_scoped3A : memref<!tpu.dma_semaphore, #tpu.memory_space<semaphore_mem>>) src(%dma_wait3A_92 : memref<80x128xf32, #tpu.memory_space<hbm>>) dst(%arg16 : memref<80x128xf32, #tpu.memory_space<vmem_shared>>)
        tpu.yield
      }) : () -> ()
    } else {
    }
    %barrier3A = arith.constant 0 : index
    tpu.barrier barrier_id(%barrier3A)
    %broadcast_in_dim3A = arith.constant 1.000000e+00 : f32
    %broadcast_in_dim3A_36 = vector.broadcast %broadcast_in_dim3A : f32 to vector<16xf32>
    %mul3A_37 = arith.constant 5000 : i32
    %mul3A_38 = arith.muli %arg0, %mul3A_37 : i32
    %scan3A_39 = arith.constant 0 : i32
    %scan3A_40 = arith.constant 0 : i32
    %scan3A_41 = arith.constant 1250 : i32
    %scan3A_42 = arith.addi %scan3A_40, %scan3A_41 : i32
    %scan3A_43 = arith.constant 1 : i32
    %scan3A_44 = scf.for %scan3A_89 = %scan3A_40 to %scan3A_42 step %scan3A_43 iter_args(%scan3A_90 = %scan3A_39) -> (i32)  : i32 {
      %mul3A_91 = arith.constant 16 : i32
      %mul3A_92 = arith.muli %scan3A_89, %mul3A_91 : i32
      %get3A = arith.index_cast %mul3A_92 : i32 to index
      %get3A_93 = tpu.vector_load %arg8[%get3A] {strides = array<i32>} : memref<20000xi32, #tpu.memory_space<vmem>>, vector<16xi32>,
      %mul3A_94 = arith.constant 16 : i32
      %mul3A_95 = arith.muli %scan3A_89, %mul3A_94 : i32
      %get3A_96 = arith.index_cast %mul3A_95 : i32 to index
      %get3A_97 = tpu.vector_load %arg9[%get3A_96] {strides = array<i32>} : memref<20000xi32, #tpu.memory_space<vmem>>, vector<16xi32>,
      %sub3A_98 = vector.broadcast %mul3A_38 : i32 to vector<16xi32>
      %sub3A_99 = arith.subi %get3A_97, %sub3A_98 : vector<16xi32>
      %ge3A = arith.constant 0 : i32
      %ge3A_100 = vector.broadcast %ge3A : i32 to vector<16xi32>
      %ge3A_101 = arith.cmpi sge, %sub3A_99, %ge3A_100 : vector<16xi32>
      %lt3A = arith.constant 5000 : i32
      %lt3A_102 = vector.broadcast %lt3A : i32 to vector<16xi32>
      %lt3A_103 = arith.cmpi slt, %sub3A_99, %lt3A_102 : vector<16xi32>
      %and3A_104 = arith.andi %ge3A_101, %lt3A_103 : vector<16xi1>
      %shift_right_logical3A = arith.constant 7 : i32
      %shift_right_logical3A_105 = vector.broadcast %shift_right_logical3A : i32 to vector<16xi32>
      %shift_right_logical3A_106 = arith.shrui %get3A_97, %shift_right_logical3A_105 : vector<16xi32>
      %and3A_107 = arith.constant 127 : i32
      %and3A_108 = vector.broadcast %and3A_107 : i32 to vector<16xi32>
      %and3A_109 = arith.andi %get3A_97, %and3A_108 : vector<16xi32>
      tpu.vector_store_idx %arg13[%shift_right_logical3A_106, %and3A_109], %broadcast_in_dim3A_36 masked %and3A_104 {add = true} : memref<80x128xf32, #tpu.memory_space<vmem>>[vector<16xi32>, vector<16xi32>], vector<16xf32>, vector<16xi1>
      %swap3A_110 = arith.index_cast %scan3A_90 : i32 to index
      %swap3A_111 = tpu.vector_load %arg8[%swap3A_110] masked %and3A_104 {strides = array<i32>} : memref<20000xi32, #tpu.memory_space<vmem>>, vector<16xi32>, vector<16xi1>
      tpu.vector_store %arg8[%swap3A_110], %get3A_93 masked %and3A_104 {strides = array<i32>} : memref<20000xi32, #tpu.memory_space<vmem>>, vector<16xi32>, vector<16xi1>
      %swap3A_112 = arith.index_cast %scan3A_90 : i32 to index
      %swap3A_113 = tpu.vector_load %arg9[%swap3A_112] masked %and3A_104 {strides = array<i32>} : memref<20000xi32, #tpu.memory_space<vmem>>, vector<16xi32>, vector<16xi1>
      tpu.vector_store %arg9[%swap3A_112], %sub3A_99 masked %and3A_104 {strides = array<i32>} : memref<20000xi32, #tpu.memory_space<vmem>>, vector<16xi32>, vector<16xi1>
      %convert_element_type3A_114 = arith.extui %and3A_104 : vector<16xi1> to vector<16xi32>
      %reduce_sum3A = arith.constant true
      %reduce_sum3A_115 = vector.broadcast %reduce_sum3A : i1 to vector<16xi1>
      %reduce_sum3A_116 = tpu.scan <sum>, %convert_element_type3A_114 masked %reduce_sum3A_115 : vector<16xi32>, vector<16xi1> -> vector<16xi32>
      %reduce_sum3A_117 = vector.extract %reduce_sum3A_116[15] : i32 from vector<16xi32>
      %add3A_118 = arith.addi %scan3A_90, %reduce_sum3A_117 : i32
      scf.yield %add3A_118 : i32
    }
    %scan3A_45 = arith.constant 1250 : i32
    %add3A_46 = arith.constant 96 : i32
    %add3A_47 = arith.addi %scan3A_44, %add3A_46 : i32
    %sub3A = arith.constant 1 : i32
    %sub3A_48 = arith.subi %add3A_47, %sub3A : i32
    %jit3A = arith.constant 96 : i32
    %div3A = arith.divsi %sub3A_48, %jit3A : i32
    %sign3A = arith.constant 0 : i32
    %sign3A_49 = arith.cmpi sgt, %sub3A_48, %sign3A : i32
    %sign3A_50 = arith.extui %sign3A_49 : i1 to i32
    %sign3A_51 = arith.constant 0 : i32
    %sign3A_52 = arith.cmpi slt, %sub3A_48, %sign3A_51 : i32
    %sign3A_53 = arith.extui %sign3A_52 : i1 to i32
    %sign3A_54 = arith.subi %sign3A_50, %sign3A_53 : i32
    %sign3A_55 = arith.constant 0 : i32
    %sign3A_56 = arith.cmpi sgt, %jit3A, %sign3A_55 : i32
    %sign3A_57 = arith.extui %sign3A_56 : i1 to i32
    %sign3A_58 = arith.constant 0 : i32
    %sign3A_59 = arith.cmpi slt, %jit3A, %sign3A_58 : i32
    %sign3A_60 = arith.extui %sign3A_59 : i1 to i32
    %sign3A_61 = arith.subi %sign3A_57, %sign3A_60 : i32
    %ne3A = arith.cmpi ne, %sign3A_54, %sign3A_61 : i32
    %rem3A = arith.remsi %sub3A_48, %jit3A : i32
    %ne3A_62 = arith.constant 0 : i32
    %ne3A_63 = arith.cmpi ne, %rem3A, %ne3A_62 : i32
    %and3A = arith.andi %ne3A, %ne3A_63 : i1
    %sub3A_64 = arith.constant 1 : i32
    %sub3A_65 = arith.subi %div3A, %sub3A_64 : i32
    %select_n3A = arith.select %and3A, %sub3A_65, %div3A : i32
    %while3A = arith.constant 0 : i32
    %while3A_66 = arith.constant 0 : i32
    %while3A_67 = arith.subi %select_n3A, %while3A_66 : i32
    %while3A_68 = arith.addi %while3A_66, %while3A_67 : i32
    %while3A_69 = arith.constant 1 : i32
    %while3A_70 = arith.divsi %while3A_67, %while3A_69 : i32
    %while3A_71 = arith.muli %while3A_70, %while3A_69 : i32
    %while3A_72 = arith.addi %while3A_66, %while3A_71 : i32
    %while3A_73 = arith.constant 1 : i32
    scf.for %while3A_89 = %while3A_66 to %while3A_72 step %while3A_73  : i32 {
      %mul3A_90 = arith.constant 96 : i32
      %mul3A_91 = arith.muli %while3A_89, %mul3A_90 : i32
      %add3A_92 = arith.constant 0 : i32
      %add3A_93 = arith.addi %mul3A_91, %add3A_92 : i32
      %add3A_94 = vector.broadcast %add3A_93 : i32 to vector<16xi32>
      %add3A_95 = arith.addi %iota3A, %add3A_94 : vector<16xi32>
      %lt3A = vector.broadcast %scan3A_44 : i32 to vector<16xi32>
      %lt3A_96 = arith.cmpi slt, %add3A_95, %lt3A : vector<16xi32>
      %add3A_97 = arith.constant 0 : i32
      %add3A_98 = arith.addi %mul3A_91, %add3A_97 : i32
      %get3A = arith.index_cast %add3A_98 : i32 to index
      %get3A_99 = tpu.vector_load %arg8[%get3A] {strides = array<i32>} : memref<20000xi32, #tpu.memory_space<vmem>>, vector<16xi32>,
      %add3A_100 = arith.constant 0 : i32
      %add3A_101 = arith.addi %mul3A_91, %add3A_100 : i32
      %get3A_102 = arith.index_cast %add3A_101 : i32 to index
      %get3A_103 = tpu.vector_load %arg9[%get3A_102] {strides = array<i32>} : memref<20000xi32, #tpu.memory_space<vmem>>, vector<16xi32>,
      %jit3A_104 = arith.constant 0 : i32
      %broadcast_in_dim3A_105 = vector.broadcast %jit3A_104 : i32 to vector<16xi32>
      %select_n3A_106 = arith.select %lt3A_96, %get3A_99, %broadcast_in_dim3A_105 : vector<16xi1>, vector<16xi32>
      %swap3A_107 = arith.constant 0 : index
      %swap3A_108 = tpu.vector_load %arg10[%swap3A_107] {strides = array<i32>} : memref<96xi32, #tpu.memory_space<vmem>>, vector<16xi32>,
      tpu.vector_store %arg10[%swap3A_107], %select_n3A_106 {strides = array<i32>} : memref<96xi32, #tpu.memory_space<vmem>>, vector<16xi32>,
      %jit3A_109 = arith.constant 5000 : i32
      %broadcast_in_dim3A_110 = vector.broadcast %jit3A_109 : i32 to vector<16xi32>
      %select_n3A_111 = arith.select %lt3A_96, %get3A_103, %broadcast_in_dim3A_110 : vector<16xi1>, vector<16xi32>
      %swap3A_112 = arith.constant 0 : index
      %swap3A_113 = tpu.vector_load %arg11[%swap3A_112] {strides = array<i32>} : memref<96xi32, #tpu.memory_space<vmem>>, vector<16xi32>,
      tpu.vector_store %arg11[%swap3A_112], %select_n3A_111 {strides = array<i32>} : memref<96xi32, #tpu.memory_space<vmem>>, vector<16xi32>,
      %add3A_114 = arith.constant 16 : i32
      %add3A_115 = arith.addi %mul3A_91, %add3A_114 : i32
      %add3A_116 = vector.broadcast %add3A_115 : i32 to vector<16xi32>
      %add3A_117 = arith.addi %iota3A, %add3A_116 : vector<16xi32>
      %lt3A_118 = vector.broadcast %scan3A_44 : i32 to vector<16xi32>
      %lt3A_119 = arith.cmpi slt, %add3A_117, %lt3A_118 : vector<16xi32>
      %add3A_120 = arith.constant 16 : i32
      %add3A_121 = arith.addi %mul3A_91, %add3A_120 : i32
      %get3A_122 = arith.index_cast %add3A_121 : i32 to index
      %get3A_123 = tpu.vector_load %arg8[%get3A_122] {strides = array<i32>} : memref<20000xi32, #tpu.memory_space<vmem>>, vector<16xi32>,
      %add3A_124 = arith.constant 16 : i32
      %add3A_125 = arith.addi %mul3A_91, %add3A_124 : i32
      %get3A_126 = arith.index_cast %add3A_125 : i32 to index
      %get3A_127 = tpu.vector_load %arg9[%get3A_126] {strides = array<i32>} : memref<20000xi32, #tpu.memory_space<vmem>>, vector<16xi32>,
      %jit3A_128 = arith.constant 0 : i32
      %broadcast_in_dim3A_129 = vector.broadcast %jit3A_128 : i32 to vector<16xi32>
      %select_n3A_130 = arith.select %lt3A_119, %get3A_123, %broadcast_in_dim3A_129 : vector<16xi1>, vector<16xi32>
      %swap3A_131 = arith.constant 16 : index
      %swap3A_132 = tpu.vector_load %arg10[%swap3A_131] {strides = array<i32>} : memref<96xi32, #tpu.memory_space<vmem>>, vector<16xi32>,
      tpu.vector_store %arg10[%swap3A_131], %select_n3A_130 {strides = array<i32>} : memref<96xi32, #tpu.memory_space<vmem>>, vector<16xi32>,
      %jit3A_133 = arith.constant 5000 : i32
      %broadcast_in_dim3A_134 = vector.broadcast %jit3A_133 : i32 to vector<16xi32>
      %select_n3A_135 = arith.select %lt3A_119, %get3A_127, %broadcast_in_dim3A_134 : vector<16xi1>, vector<16xi32>
      %swap3A_136 = arith.constant 16 : index
      %swap3A_137 = tpu.vector_load %arg11[%swap3A_136] {strides = array<i32>} : memref<96xi32, #tpu.memory_space<vmem>>, vector<16xi32>,
      tpu.vector_store %arg11[%swap3A_136], %select_n3A_135 {strides = array<i32>} : memref<96xi32, #tpu.memory_space<vmem>>, vector<16xi32>,
      %add3A_138 = arith.constant 32 : i32
      %add3A_139 = arith.addi %mul3A_91, %add3A_138 : i32
      %add3A_140 = vector.broadcast %add3A_139 : i32 to vector<16xi32>
      %add3A_141 = arith.addi %iota3A, %add3A_140 : vector<16xi32>
      %lt3A_142 = vector.broadcast %scan3A_44 : i32 to vector<16xi32>
      %lt3A_143 = arith.cmpi slt, %add3A_141, %lt3A_142 : vector<16xi32>
      %add3A_144 = arith.constant 32 : i32
      %add3A_145 = arith.addi %mul3A_91, %add3A_144 : i32
      %get3A_146 = arith.index_cast %add3A_145 : i32 to index
      %get3A_147 = tpu.vector_load %arg8[%get3A_146] {strides = array<i32>} : memref<20000xi32, #tpu.memory_space<vmem>>, vector<16xi32>,
      %add3A_148 = arith.constant 32 : i32
      %add3A_149 = arith.addi %mul3A_91, %add3A_148 : i32
      %get3A_150 = arith.index_cast %add3A_149 : i32 to index
      %get3A_151 = tpu.vector_load %arg9[%get3A_150] {strides = array<i32>} : memref<20000xi32, #tpu.memory_space<vmem>>, vector<16xi32>,
      %jit3A_152 = arith.constant 0 : i32
      %broadcast_in_dim3A_153 = vector.broadcast %jit3A_152 : i32 to vector<16xi32>
      %select_n3A_154 = arith.select %lt3A_143, %get3A_147, %broadcast_in_dim3A_153 : vector<16xi1>, vector<16xi32>
      %swap3A_155 = arith.constant 32 : index
      %swap3A_156 = tpu.vector_load %arg10[%swap3A_155] {strides = array<i32>} : memref<96xi32, #tpu.memory_space<vmem>>, vector<16xi32>,
      tpu.vector_store %arg10[%swap3A_155], %select_n3A_154 {strides = array<i32>} : memref<96xi32, #tpu.memory_space<vmem>>, vector<16xi32>,
      %jit3A_157 = arith.constant 5000 : i32
      %broadcast_in_dim3A_158 = vector.broadcast %jit3A_157 : i32 to vector<16xi32>
      %select_n3A_159 = arith.select %lt3A_143, %get3A_151, %broadcast_in_dim3A_158 : vector<16xi1>, vector<16xi32>
      %swap3A_160 = arith.constant 32 : index
      %swap3A_161 = tpu.vector_load %arg11[%swap3A_160] {strides = array<i32>} : memref<96xi32, #tpu.memory_space<vmem>>, vector<16xi32>,
      tpu.vector_store %arg11[%swap3A_160], %select_n3A_159 {strides = array<i32>} : memref<96xi32, #tpu.memory_space<vmem>>, vector<16xi32>,
      %add3A_162 = arith.constant 48 : i32
      %add3A_163 = arith.addi %mul3A_91, %add3A_162 : i32
      %add3A_164 = vector.broadcast %add3A_163 : i32 to vector<16xi32>
      %add3A_165 = arith.addi %iota3A, %add3A_164 : vector<16xi32>
      %lt3A_166 = vector.broadcast %scan3A_44 : i32 to vector<16xi32>
      %lt3A_167 = arith.cmpi slt, %add3A_165, %lt3A_166 : vector<16xi32>
      %add3A_168 = arith.constant 48 : i32
      %add3A_169 = arith.addi %mul3A_91, %add3A_168 : i32
      %get3A_170 = arith.index_cast %add3A_169 : i32 to index
      %get3A_171 = tpu.vector_load %arg8[%get3A_170] {strides = array<i32>} : memref<20000xi32, #tpu.memory_space<vmem>>, vector<16xi32>,
      %add3A_172 = arith.constant 48 : i32
      %add3A_173 = arith.addi %mul3A_91, %add3A_172 : i32
      %get3A_174 = arith.index_cast %add3A_173 : i32 to index
      %get3A_175 = tpu.vector_load %arg9[%get3A_174] {strides = array<i32>} : memref<20000xi32, #tpu.memory_space<vmem>>, vector<16xi32>,
      %jit3A_176 = arith.constant 0 : i32
      %broadcast_in_dim3A_177 = vector.broadcast %jit3A_176 : i32 to vector<16xi32>
      %select_n3A_178 = arith.select %lt3A_167, %get3A_171, %broadcast_in_dim3A_177 : vector<16xi1>, vector<16xi32>
      %swap3A_179 = arith.constant 48 : index
      %swap3A_180 = tpu.vector_load %arg10[%swap3A_179] {strides = array<i32>} : memref<96xi32, #tpu.memory_space<vmem>>, vector<16xi32>,
      tpu.vector_store %arg10[%swap3A_179], %select_n3A_178 {strides = array<i32>} : memref<96xi32, #tpu.memory_space<vmem>>, vector<16xi32>,
      %jit3A_181 = arith.constant 5000 : i32
      %broadcast_in_dim3A_182 = vector.broadcast %jit3A_181 : i32 to vector<16xi32>
      %select_n3A_183 = arith.select %lt3A_167, %get3A_175, %broadcast_in_dim3A_182 : vector<16xi1>, vector<16xi32>
      %swap3A_184 = arith.constant 48 : index
      %swap3A_185 = tpu.vector_load %arg11[%swap3A_184] {strides = array<i32>} : memref<96xi32, #tpu.memory_space<vmem>>, vector<16xi32>,
      tpu.vector_store %arg11[%swap3A_184], %select_n3A_183 {strides = array<i32>} : memref<96xi32, #tpu.memory_space<vmem>>, vector<16xi32>,
      %add3A_186 = arith.constant 64 : i32
      %add3A_187 = arith.addi %mul3A_91, %add3A_186 : i32
      %add3A_188 = vector.broadcast %add3A_187 : i32 to vector<16xi32>
      %add3A_189 = arith.addi %iota3A, %add3A_188 : vector<16xi32>
      %lt3A_190 = vector.broadcast %scan3A_44 : i32 to vector<16xi32>
      %lt3A_191 = arith.cmpi slt, %add3A_189, %lt3A_190 : vector<16xi32>
      %add3A_192 = arith.constant 64 : i32
      %add3A_193 = arith.addi %mul3A_91, %add3A_192 : i32
      %get3A_194 = arith.index_cast %add3A_193 : i32 to index
      %get3A_195 = tpu.vector_load %arg8[%get3A_194] {strides = array<i32>} : memref<20000xi32, #tpu.memory_space<vmem>>, vector<16xi32>,
      %add3A_196 = arith.constant 64 : i32
      %add3A_197 = arith.addi %mul3A_91, %add3A_196 : i32
      %get3A_198 = arith.index_cast %add3A_197 : i32 to index
      %get3A_199 = tpu.vector_load %arg9[%get3A_198] {strides = array<i32>} : memref<20000xi32, #tpu.memory_space<vmem>>, vector<16xi32>,
      %jit3A_200 = arith.constant 0 : i32
      %broadcast_in_dim3A_201 = vector.broadcast %jit3A_200 : i32 to vector<16xi32>
      %select_n3A_202 = arith.select %lt3A_191, %get3A_195, %broadcast_in_dim3A_201 : vector<16xi1>, vector<16xi32>
      %swap3A_203 = arith.constant 64 : index
      %swap3A_204 = tpu.vector_load %arg10[%swap3A_203] {strides = array<i32>} : memref<96xi32, #tpu.memory_space<vmem>>, vector<16xi32>,
      tpu.vector_store %arg10[%swap3A_203], %select_n3A_202 {strides = array<i32>} : memref<96xi32, #tpu.memory_space<vmem>>, vector<16xi32>,
      %jit3A_205 = arith.constant 5000 : i32
      %broadcast_in_dim3A_206 = vector.broadcast %jit3A_205 : i32 to vector<16xi32>
      %select_n3A_207 = arith.select %lt3A_191, %get3A_199, %broadcast_in_dim3A_206 : vector<16xi1>, vector<16xi32>
      %swap3A_208 = arith.constant 64 : index
      %swap3A_209 = tpu.vector_load %arg11[%swap3A_208] {strides = array<i32>} : memref<96xi32, #tpu.memory_space<vmem>>, vector<16xi32>,
      tpu.vector_store %arg11[%swap3A_208], %select_n3A_207 {strides = array<i32>} : memref<96xi32, #tpu.memory_space<vmem>>, vector<16xi32>,
      %add3A_210 = arith.constant 80 : i32
      %add3A_211 = arith.addi %mul3A_91, %add3A_210 : i32
      %add3A_212 = vector.broadcast %add3A_211 : i32 to vector<16xi32>
      %add3A_213 = arith.addi %iota3A, %add3A_212 : vector<16xi32>
      %lt3A_214 = vector.broadcast %scan3A_44 : i32 to vector<16xi32>
      %lt3A_215 = arith.cmpi slt, %add3A_213, %lt3A_214 : vector<16xi32>
      %add3A_216 = arith.constant 80 : i32
      %add3A_217 = arith.addi %mul3A_91, %add3A_216 : i32
      %get3A_218 = arith.index_cast %add3A_217 : i32 to index
      %get3A_219 = tpu.vector_load %arg8[%get3A_218] {strides = array<i32>} : memref<20000xi32, #tpu.memory_space<vmem>>, vector<16xi32>,
      %add3A_220 = arith.constant 80 : i32
      %add3A_221 = arith.addi %mul3A_91, %add3A_220 : i32
      %get3A_222 = arith.index_cast %add3A_221 : i32 to index
      %get3A_223 = tpu.vector_load %arg9[%get3A_222] {strides = array<i32>} : memref<20000xi32, #tpu.memory_space<vmem>>, vector<16xi32>,
      %jit3A_224 = arith.constant 0 : i32
      %broadcast_in_dim3A_225 = vector.broadcast %jit3A_224 : i32 to vector<16xi32>
      %select_n3A_226 = arith.select %lt3A_215, %get3A_219, %broadcast_in_dim3A_225 : vector<16xi1>, vector<16xi32>
      %swap3A_227 = arith.constant 80 : index
      %swap3A_228 = tpu.vector_load %arg10[%swap3A_227] {strides = array<i32>} : memref<96xi32, #tpu.memory_space<vmem>>, vector<16xi32>,
      tpu.vector_store %arg10[%swap3A_227], %select_n3A_226 {strides = array<i32>} : memref<96xi32, #tpu.memory_space<vmem>>, vector<16xi32>,
      %jit3A_229 = arith.constant 5000 : i32
      %broadcast_in_dim3A_230 = vector.broadcast %jit3A_229 : i32 to vector<16xi32>
      %select_n3A_231 = arith.select %lt3A_215, %get3A_223, %broadcast_in_dim3A_230 : vector<16xi1>, vector<16xi32>
      %swap3A_232 = arith.constant 80 : index
      %swap3A_233 = tpu.vector_load %arg11[%swap3A_232] {strides = array<i32>} : memref<96xi32, #tpu.memory_space<vmem>>, vector<16xi32>,
      tpu.vector_store %arg11[%swap3A_232], %select_n3A_231 {strides = array<i32>} : memref<96xi32, #tpu.memory_space<vmem>>, vector<16xi32>,
      %dma_start3A = arith.constant 0 : i32
      %dma_start3A_234 = arith.constant 0 : i32
      %dma_start3A_235 = tpu.memref_slice %arg2[%dma_start3A, %dma_start3A_234] : memref<10000x128xf32, #tpu.memory_space<hbm>> -> memref<10000x128xf32, #tpu.memory_space<hbm>>
      tpu.enqueue_indirect_dma source(%dma_start3A_235 : memref<10000x128xf32, #tpu.memory_space<hbm>>) target(%arg12 : memref<96x128xf32, #tpu.memory_space<vmem>>) offsets(%arg10 : memref<96xi32, #tpu.memory_space<vmem>>) semaphore(%arg17 : memref<!tpu.dma_semaphore, #tpu.memory_space<semaphore_mem>>)
      %dma_wait3A = arith.constant 0 : i32
      %dma_wait3A_236 = arith.constant 0 : i32
      %dma_wait3A_237 = tpu.memref_slice %arg2[%dma_wait3A, %dma_wait3A_236] : memref<10000x128xf32, #tpu.memory_space<hbm>> -> memref<10000x128xf32, #tpu.memory_space<hbm>>
      tpu.wait_indirect_dma semaphore(%arg17 : memref<!tpu.dma_semaphore, #tpu.memory_space<semaphore_mem>>) src(%dma_wait3A_237 : memref<10000x128xf32, #tpu.memory_space<hbm>>) dst(%arg12 : memref<96x128xf32, #tpu.memory_space<vmem>>)
      "tpu.region"() ({
        %run_scoped3A = tpu.sem_alloc : memref<!tpu.dma_semaphore, #tpu.memory_space<semaphore_mem>>
        %dma_start3A_238 = arith.constant 0 : i32
        %dma_start3A_239 = arith.constant 0 : i32
        %dma_start3A_240 = tpu.memref_slice %arg15[%dma_start3A_238, %dma_start3A_239] : memref<5008x128xf32, #tpu.memory_space<vmem_shared>> -> memref<5008x128xf32, #tpu.memory_space<vmem_shared>>
        tpu.enqueue_indirect_dma source(%arg12 : memref<96x128xf32, #tpu.memory_space<vmem>>) target(%dma_start3A_240 : memref<5008x128xf32, #tpu.memory_space<vmem_shared>>) offsets(%arg11 : memref<96xi32, #tpu.memory_space<vmem>>) semaphore(%run_scoped3A : memref<!tpu.dma_semaphore, #tpu.memory_space<semaphore_mem>>) {add = true}
        %dma_wait3A_241 = arith.constant 0 : i32
        %dma_wait3A_242 = arith.constant 0 : i32
        %dma_wait3A_243 = tpu.memref_slice %arg15[%dma_wait3A_241, %dma_wait3A_242] : memref<5008x128xf32, #tpu.memory_space<vmem_shared>> -> memref<5008x128xf32, #tpu.memory_space<vmem_shared>>
        tpu.wait_indirect_dma semaphore(%run_scoped3A : memref<!tpu.dma_semaphore, #tpu.memory_space<semaphore_mem>>) src(%arg12 : memref<96x128xf32, #tpu.memory_space<vmem>>) dst(%dma_wait3A_243 : memref<5008x128xf32, #tpu.memory_space<vmem_shared>>)
        tpu.yield
      }) : () -> ()
    }
    %while3A_74 = arith.constant 1 : i32
    scf.for %while3A_89 = %while3A_72 to %while3A_68 step %while3A_74  : i32 {
      %mul3A_90 = arith.constant 96 : i32
      %mul3A_91 = arith.muli %while3A_89, %mul3A_90 : i32
      %add3A_92 = arith.constant 0 : i32
      %add3A_93 = arith.addi %mul3A_91, %add3A_92 : i32
      %add3A_94 = vector.broadcast %add3A_93 : i32 to vector<16xi32>
      %add3A_95 = arith.addi %iota3A, %add3A_94 : vector<16xi32>
      %lt3A = vector.broadcast %scan3A_44 : i32 to vector<16xi32>
      %lt3A_96 = arith.cmpi slt, %add3A_95, %lt3A : vector<16xi32>
      %add3A_97 = arith.constant 0 : i32
      %add3A_98 = arith.addi %mul3A_91, %add3A_97 : i32
      %get3A = arith.index_cast %add3A_98 : i32 to index
      %get3A_99 = tpu.vector_load %arg8[%get3A] {strides = array<i32>} : memref<20000xi32, #tpu.memory_space<vmem>>, vector<16xi32>,
      %add3A_100 = arith.constant 0 : i32
      %add3A_101 = arith.addi %mul3A_91, %add3A_100 : i32
      %get3A_102 = arith.index_cast %add3A_101 : i32 to index
      %get3A_103 = tpu.vector_load %arg9[%get3A_102] {strides = array<i32>} : memref<20000xi32, #tpu.memory_space<vmem>>, vector<16xi32>,
      %jit3A_104 = arith.constant 0 : i32
      %broadcast_in_dim3A_105 = vector.broadcast %jit3A_104 : i32 to vector<16xi32>
      %select_n3A_106 = arith.select %lt3A_96, %get3A_99, %broadcast_in_dim3A_105 : vector<16xi1>, vector<16xi32>
      %swap3A_107 = arith.constant 0 : index
      %swap3A_108 = tpu.vector_load %arg10[%swap3A_107] {strides = array<i32>} : memref<96xi32, #tpu.memory_space<vmem>>, vector<16xi32>,
      tpu.vector_store %arg10[%swap3A_107], %select_n3A_106 {strides = array<i32>} : memref<96xi32, #tpu.memory_space<vmem>>, vector<16xi32>,
      %jit3A_109 = arith.constant 5000 : i32
      %broadcast_in_dim3A_110 = vector.broadcast %jit3A_109 : i32 to vector<16xi32>
      %select_n3A_111 = arith.select %lt3A_96, %get3A_103, %broadcast_in_dim3A_110 : vector<16xi1>, vector<16xi32>
      %swap3A_112 = arith.constant 0 : index
      %swap3A_113 = tpu.vector_load %arg11[%swap3A_112] {strides = array<i32>} : memref<96xi32, #tpu.memory_space<vmem>>, vector<16xi32>,
      tpu.vector_store %arg11[%swap3A_112], %select_n3A_111 {strides = array<i32>} : memref<96xi32, #tpu.memory_space<vmem>>, vector<16xi32>,
      %add3A_114 = arith.constant 16 : i32
      %add3A_115 = arith.addi %mul3A_91, %add3A_114 : i32
      %add3A_116 = vector.broadcast %add3A_115 : i32 to vector<16xi32>
      %add3A_117 = arith.addi %iota3A, %add3A_116 : vector<16xi32>
      %lt3A_118 = vector.broadcast %scan3A_44 : i32 to vector<16xi32>
      %lt3A_119 = arith.cmpi slt, %add3A_117, %lt3A_118 : vector<16xi32>
      %add3A_120 = arith.constant 16 : i32
      %add3A_121 = arith.addi %mul3A_91, %add3A_120 : i32
      %get3A_122 = arith.index_cast %add3A_121 : i32 to index
      %get3A_123 = tpu.vector_load %arg8[%get3A_122] {strides = array<i32>} : memref<20000xi32, #tpu.memory_space<vmem>>, vector<16xi32>,
      %add3A_124 = arith.constant 16 : i32
      %add3A_125 = arith.addi %mul3A_91, %add3A_124 : i32
      %get3A_126 = arith.index_cast %add3A_125 : i32 to index
      %get3A_127 = tpu.vector_load %arg9[%get3A_126] {strides = array<i32>} : memref<20000xi32, #tpu.memory_space<vmem>>, vector<16xi32>,
      %jit3A_128 = arith.constant 0 : i32
      %broadcast_in_dim3A_129 = vector.broadcast %jit3A_128 : i32 to vector<16xi32>
      %select_n3A_130 = arith.select %lt3A_119, %get3A_123, %broadcast_in_dim3A_129 : vector<16xi1>, vector<16xi32>
      %swap3A_131 = arith.constant 16 : index
      %swap3A_132 = tpu.vector_load %arg10[%swap3A_131] {strides = array<i32>} : memref<96xi32, #tpu.memory_space<vmem>>, vector<16xi32>,
      tpu.vector_store %arg10[%swap3A_131], %select_n3A_130 {strides = array<i32>} : memref<96xi32, #tpu.memory_space<vmem>>, vector<16xi32>,
      %jit3A_133 = arith.constant 5000 : i32
      %broadcast_in_dim3A_134 = vector.broadcast %jit3A_133 : i32 to vector<16xi32>
      %select_n3A_135 = arith.select %lt3A_119, %get3A_127, %broadcast_in_dim3A_134 : vector<16xi1>, vector<16xi32>
      %swap3A_136 = arith.constant 16 : index
      %swap3A_137 = tpu.vector_load %arg11[%swap3A_136] {strides = array<i32>} : memref<96xi32, #tpu.memory_space<vmem>>, vector<16xi32>,
      tpu.vector_store %arg11[%swap3A_136], %select_n3A_135 {strides = array<i32>} : memref<96xi32, #tpu.memory_space<vmem>>, vector<16xi32>,
      %add3A_138 = arith.constant 32 : i32
      %add3A_139 = arith.addi %mul3A_91, %add3A_138 : i32
      %add3A_140 = vector.broadcast %add3A_139 : i32 to vector<16xi32>
      %add3A_141 = arith.addi %iota3A, %add3A_140 : vector<16xi32>
      %lt3A_142 = vector.broadcast %scan3A_44 : i32 to vector<16xi32>
      %lt3A_143 = arith.cmpi slt, %add3A_141, %lt3A_142 : vector<16xi32>
      %add3A_144 = arith.constant 32 : i32
      %add3A_145 = arith.addi %mul3A_91, %add3A_144 : i32
      %get3A_146 = arith.index_cast %add3A_145 : i32 to index
      %get3A_147 = tpu.vector_load %arg8[%get3A_146] {strides = array<i32>} : memref<20000xi32, #tpu.memory_space<vmem>>, vector<16xi32>,
      %add3A_148 = arith.constant 32 : i32
      %add3A_149 = arith.addi %mul3A_91, %add3A_148 : i32
      %get3A_150 = arith.index_cast %add3A_149 : i32 to index
      %get3A_151 = tpu.vector_load %arg9[%get3A_150] {strides = array<i32>} : memref<20000xi32, #tpu.memory_space<vmem>>, vector<16xi32>,
      %jit3A_152 = arith.constant 0 : i32
      %broadcast_in_dim3A_153 = vector.broadcast %jit3A_152 : i32 to vector<16xi32>
      %select_n3A_154 = arith.select %lt3A_143, %get3A_147, %broadcast_in_dim3A_153 : vector<16xi1>, vector<16xi32>
      %swap3A_155 = arith.constant 32 : index
      %swap3A_156 = tpu.vector_load %arg10[%swap3A_155] {strides = array<i32>} : memref<96xi32, #tpu.memory_space<vmem>>, vector<16xi32>,
      tpu.vector_store %arg10[%swap3A_155], %select_n3A_154 {strides = array<i32>} : memref<96xi32, #tpu.memory_space<vmem>>, vector<16xi32>,
      %jit3A_157 = arith.constant 5000 : i32
      %broadcast_in_dim3A_158 = vector.broadcast %jit3A_157 : i32 to vector<16xi32>
      %select_n3A_159 = arith.select %lt3A_143, %get3A_151, %broadcast_in_dim3A_158 : vector<16xi1>, vector<16xi32>
      %swap3A_160 = arith.constant 32 : index
      %swap3A_161 = tpu.vector_load %arg11[%swap3A_160] {strides = array<i32>} : memref<96xi32, #tpu.memory_space<vmem>>, vector<16xi32>,
      tpu.vector_store %arg11[%swap3A_160], %select_n3A_159 {strides = array<i32>} : memref<96xi32, #tpu.memory_space<vmem>>, vector<16xi32>,
      %add3A_162 = arith.constant 48 : i32
      %add3A_163 = arith.addi %mul3A_91, %add3A_162 : i32
      %add3A_164 = vector.broadcast %add3A_163 : i32 to vector<16xi32>
      %add3A_165 = arith.addi %iota3A, %add3A_164 : vector<16xi32>
      %lt3A_166 = vector.broadcast %scan3A_44 : i32 to vector<16xi32>
      %lt3A_167 = arith.cmpi slt, %add3A_165, %lt3A_166 : vector<16xi32>
      %add3A_168 = arith.constant 48 : i32
      %add3A_169 = arith.addi %mul3A_91, %add3A_168 : i32
      %get3A_170 = arith.index_cast %add3A_169 : i32 to index
      %get3A_171 = tpu.vector_load %arg8[%get3A_170] {strides = array<i32>} : memref<20000xi32, #tpu.memory_space<vmem>>, vector<16xi32>,
      %add3A_172 = arith.constant 48 : i32
      %add3A_173 = arith.addi %mul3A_91, %add3A_172 : i32
      %get3A_174 = arith.index_cast %add3A_173 : i32 to index
      %get3A_175 = tpu.vector_load %arg9[%get3A_174] {strides = array<i32>} : memref<20000xi32, #tpu.memory_space<vmem>>, vector<16xi32>,
      %jit3A_176 = arith.constant 0 : i32
      %broadcast_in_dim3A_177 = vector.broadcast %jit3A_176 : i32 to vector<16xi32>
      %select_n3A_178 = arith.select %lt3A_167, %get3A_171, %broadcast_in_dim3A_177 : vector<16xi1>, vector<16xi32>
      %swap3A_179 = arith.constant 48 : index
      %swap3A_180 = tpu.vector_load %arg10[%swap3A_179] {strides = array<i32>} : memref<96xi32, #tpu.memory_space<vmem>>, vector<16xi32>,
      tpu.vector_store %arg10[%swap3A_179], %select_n3A_178 {strides = array<i32>} : memref<96xi32, #tpu.memory_space<vmem>>, vector<16xi32>,
      %jit3A_181 = arith.constant 5000 : i32
      %broadcast_in_dim3A_182 = vector.broadcast %jit3A_181 : i32 to vector<16xi32>
      %select_n3A_183 = arith.select %lt3A_167, %get3A_175, %broadcast_in_dim3A_182 : vector<16xi1>, vector<16xi32>
      %swap3A_184 = arith.constant 48 : index
      %swap3A_185 = tpu.vector_load %arg11[%swap3A_184] {strides = array<i32>} : memref<96xi32, #tpu.memory_space<vmem>>, vector<16xi32>,
      tpu.vector_store %arg11[%swap3A_184], %select_n3A_183 {strides = array<i32>} : memref<96xi32, #tpu.memory_space<vmem>>, vector<16xi32>,
      %add3A_186 = arith.constant 64 : i32
      %add3A_187 = arith.addi %mul3A_91, %add3A_186 : i32
      %add3A_188 = vector.broadcast %add3A_187 : i32 to vector<16xi32>
      %add3A_189 = arith.addi %iota3A, %add3A_188 : vector<16xi32>
      %lt3A_190 = vector.broadcast %scan3A_44 : i32 to vector<16xi32>
      %lt3A_191 = arith.cmpi slt, %add3A_189, %lt3A_190 : vector<16xi32>
      %add3A_192 = arith.constant 64 : i32
      %add3A_193 = arith.addi %mul3A_91, %add3A_192 : i32
      %get3A_194 = arith.index_cast %add3A_193 : i32 to index
      %get3A_195 = tpu.vector_load %arg8[%get3A_194] {strides = array<i32>} : memref<20000xi32, #tpu.memory_space<vmem>>, vector<16xi32>,
      %add3A_196 = arith.constant 64 : i32
      %add3A_197 = arith.addi %mul3A_91, %add3A_196 : i32
      %get3A_198 = arith.index_cast %add3A_197 : i32 to index
      %get3A_199 = tpu.vector_load %arg9[%get3A_198] {strides = array<i32>} : memref<20000xi32, #tpu.memory_space<vmem>>, vector<16xi32>,
      %jit3A_200 = arith.constant 0 : i32
      %broadcast_in_dim3A_201 = vector.broadcast %jit3A_200 : i32 to vector<16xi32>
      %select_n3A_202 = arith.select %lt3A_191, %get3A_195, %broadcast_in_dim3A_201 : vector<16xi1>, vector<16xi32>
      %swap3A_203 = arith.constant 64 : index
      %swap3A_204 = tpu.vector_load %arg10[%swap3A_203] {strides = array<i32>} : memref<96xi32, #tpu.memory_space<vmem>>, vector<16xi32>,
      tpu.vector_store %arg10[%swap3A_203], %select_n3A_202 {strides = array<i32>} : memref<96xi32, #tpu.memory_space<vmem>>, vector<16xi32>,
      %jit3A_205 = arith.constant 5000 : i32
      %broadcast_in_dim3A_206 = vector.broadcast %jit3A_205 : i32 to vector<16xi32>
      %select_n3A_207 = arith.select %lt3A_191, %get3A_199, %broadcast_in_dim3A_206 : vector<16xi1>, vector<16xi32>
      %swap3A_208 = arith.constant 64 : index
      %swap3A_209 = tpu.vector_load %arg11[%swap3A_208] {strides = array<i32>} : memref<96xi32, #tpu.memory_space<vmem>>, vector<16xi32>,
      tpu.vector_store %arg11[%swap3A_208], %select_n3A_207 {strides = array<i32>} : memref<96xi32, #tpu.memory_space<vmem>>, vector<16xi32>,
      %add3A_210 = arith.constant 80 : i32
      %add3A_211 = arith.addi %mul3A_91, %add3A_210 : i32
      %add3A_212 = vector.broadcast %add3A_211 : i32 to vector<16xi32>
      %add3A_213 = arith.addi %iota3A, %add3A_212 : vector<16xi32>
      %lt3A_214 = vector.broadcast %scan3A_44 : i32 to vector<16xi32>
      %lt3A_215 = arith.cmpi slt, %add3A_213, %lt3A_214 : vector<16xi32>
      %add3A_216 = arith.constant 80 : i32
      %add3A_217 = arith.addi %mul3A_91, %add3A_216 : i32
      %get3A_218 = arith.index_cast %add3A_217 : i32 to index
      %get3A_219 = tpu.vector_load %arg8[%get3A_218] {strides = array<i32>} : memref<20000xi32, #tpu.memory_space<vmem>>, vector<16xi32>,
      %add3A_220 = arith.constant 80 : i32
      %add3A_221 = arith.addi %mul3A_91, %add3A_220 : i32
      %get3A_222 = arith.index_cast %add3A_221 : i32 to index
      %get3A_223 = tpu.vector_load %arg9[%get3A_222] {strides = array<i32>} : memref<20000xi32, #tpu.memory_space<vmem>>, vector<16xi32>,
      %jit3A_224 = arith.constant 0 : i32
      %broadcast_in_dim3A_225 = vector.broadcast %jit3A_224 : i32 to vector<16xi32>
      %select_n3A_226 = arith.select %lt3A_215, %get3A_219, %broadcast_in_dim3A_225 : vector<16xi1>, vector<16xi32>
      %swap3A_227 = arith.constant 80 : index
      %swap3A_228 = tpu.vector_load %arg10[%swap3A_227] {strides = array<i32>} : memref<96xi32, #tpu.memory_space<vmem>>, vector<16xi32>,
      tpu.vector_store %arg10[%swap3A_227], %select_n3A_226 {strides = array<i32>} : memref<96xi32, #tpu.memory_space<vmem>>, vector<16xi32>,
      %jit3A_229 = arith.constant 5000 : i32
      %broadcast_in_dim3A_230 = vector.broadcast %jit3A_229 : i32 to vector<16xi32>
      %select_n3A_231 = arith.select %lt3A_215, %get3A_223, %broadcast_in_dim3A_230 : vector<16xi1>, vector<16xi32>
      %swap3A_232 = arith.constant 80 : index
      %swap3A_233 = tpu.vector_load %arg11[%swap3A_232] {strides = array<i32>} : memref<96xi32, #tpu.memory_space<vmem>>, vector<16xi32>,
      tpu.vector_store %arg11[%swap3A_232], %select_n3A_231 {strides = array<i32>} : memref<96xi32, #tpu.memory_space<vmem>>, vector<16xi32>,
      %dma_start3A = arith.constant 0 : i32
      %dma_start3A_234 = arith.constant 0 : i32
      %dma_start3A_235 = tpu.memref_slice %arg2[%dma_start3A, %dma_start3A_234] : memref<10000x128xf32, #tpu.memory_space<hbm>> -> memref<10000x128xf32, #tpu.memory_space<hbm>>
      tpu.enqueue_indirect_dma source(%dma_start3A_235 : memref<10000x128xf32, #tpu.memory_space<hbm>>) target(%arg12 : memref<96x128xf32, #tpu.memory_space<vmem>>) offsets(%arg10 : memref<96xi32, #tpu.memory_space<vmem>>) semaphore(%arg17 : memref<!tpu.dma_semaphore, #tpu.memory_space<semaphore_mem>>)
      %dma_wait3A = arith.constant 0 : i32
      %dma_wait3A_236 = arith.constant 0 : i32
      %dma_wait3A_237 = tpu.memref_slice %arg2[%dma_wait3A, %dma_wait3A_236] : memref<10000x128xf32, #tpu.memory_space<hbm>> -> memref<10000x128xf32, #tpu.memory_space<hbm>>
      tpu.wait_indirect_dma semaphore(%arg17 : memref<!tpu.dma_semaphore, #tpu.memory_space<semaphore_mem>>) src(%dma_wait3A_237 : memref<10000x128xf32, #tpu.memory_space<hbm>>) dst(%arg12 : memref<96x128xf32, #tpu.memory_space<vmem>>)
      "tpu.region"() ({
        %run_scoped3A = tpu.sem_alloc : memref<!tpu.dma_semaphore, #tpu.memory_space<semaphore_mem>>
        %dma_start3A_238 = arith.constant 0 : i32
        %dma_start3A_239 = arith.constant 0 : i32
        %dma_start3A_240 = tpu.memref_slice %arg15[%dma_start3A_238, %dma_start3A_239] : memref<5008x128xf32, #tpu.memory_space<vmem_shared>> -> memref<5008x128xf32, #tpu.memory_space<vmem_shared>>
        tpu.enqueue_indirect_dma source(%arg12 : memref<96x128xf32, #tpu.memory_space<vmem>>) target(%dma_start3A_240 : memref<5008x128xf32, #tpu.memory_space<vmem_shared>>) offsets(%arg11 : memref<96xi32, #tpu.memory_space<vmem>>) semaphore(%run_scoped3A : memref<!tpu.dma_semaphore, #tpu.memory_space<semaphore_mem>>) {add = true}
        %dma_wait3A_241 = arith.constant 0 : i32
        %dma_wait3A_242 = arith.constant 0 : i32
        %dma_wait3A_243 = tpu.memref_slice %arg15[%dma_wait3A_241, %dma_wait3A_242] : memref<5008x128xf32, #tpu.memory_space<vmem_shared>> -> memref<5008x128xf32, #tpu.memory_space<vmem_shared>>
        tpu.wait_indirect_dma semaphore(%run_scoped3A : memref<!tpu.dma_semaphore, #tpu.memory_space<semaphore_mem>>) src(%arg12 : memref<96x128xf32, #tpu.memory_space<vmem>>) dst(%dma_wait3A_243 : memref<5008x128xf32, #tpu.memory_space<vmem_shared>>)
        tpu.yield
      }) : () -> ()
    }
    "tpu.region"() ({
      %run_scoped3A = tpu.sem_alloc : memref<!tpu.dma_semaphore, #tpu.memory_space<semaphore_mem>>
      %dma_start3A = arith.constant 0 : i32
      %dma_start3A_89 = arith.constant 0 : i32
      %dma_start3A_90 = tpu.memref_slice %arg16[%dma_start3A, %dma_start3A_89] : memref<80x128xf32, #tpu.memory_space<vmem_shared>> -> memref<80x128xf32, #tpu.memory_space<vmem_shared>>
      tpu.enqueue_indirect_dma source(%arg13 : memref<80x128xf32, #tpu.memory_space<vmem>>) target(%dma_start3A_90 : memref<80x128xf32, #tpu.memory_space<vmem_shared>>) offsets(%arg14 : memref<80xi32, #tpu.memory_space<vmem>>) semaphore(%run_scoped3A : memref<!tpu.dma_semaphore, #tpu.memory_space<semaphore_mem>>) {add = true}
      %dma_wait3A = arith.constant 0 : i32
      %dma_wait3A_91 = arith.constant 0 : i32
      %dma_wait3A_92 = tpu.memref_slice %arg16[%dma_wait3A, %dma_wait3A_91] : memref<80x128xf32, #tpu.memory_space<vmem_shared>> -> memref<80x128xf32, #tpu.memory_space<vmem_shared>>
      tpu.wait_indirect_dma semaphore(%run_scoped3A : memref<!tpu.dma_semaphore, #tpu.memory_space<semaphore_mem>>) src(%arg13 : memref<80x128xf32, #tpu.memory_space<vmem>>) dst(%dma_wait3A_92 : memref<80x128xf32, #tpu.memory_space<vmem_shared>>)
      tpu.yield
    }) : () -> ()
    %barrier3A_75 = arith.constant 0 : index
    tpu.barrier barrier_id(%barrier3A_75)
    %mul3A_76 = arith.constant 5000 : i32
    %mul3A_77 = arith.muli %arg0, %mul3A_76 : i32
    %add3A_78 = arith.addi %mul3A_77, %mul3A_28 : i32
    "tpu.region"() ({
      %run_scoped3A = tpu.sem_alloc : memref<!tpu.dma_semaphore, #tpu.memory_space<semaphore_mem>>
      %dma_start3A = arith.constant 0 : i32
      %dma_start3A_89 = tpu.memref_slice %arg6[%add3A_78, %dma_start3A] : memref<10000x128xf32, #tpu.memory_space<hbm>> -> memref<312x128xf32, #tpu.memory_space<hbm>>
      %dma_start3A_90 = arith.constant 0 : i32
      %dma_start3A_91 = tpu.memref_slice %arg15[%mul3A_28, %dma_start3A_90] : memref<5008x128xf32, #tpu.memory_space<vmem_shared>> -> memref<312x128xf32, #tpu.memory_space<vmem_shared>>
      tpu.enqueue_dma source(%dma_start3A_91 : memref<312x128xf32, #tpu.memory_space<vmem_shared>>) target(%dma_start3A_89 : memref<312x128xf32, #tpu.memory_space<hbm>>) target_semaphore(%run_scoped3A : memref<!tpu.dma_semaphore, #tpu.memory_space<semaphore_mem>>)
      %dma_wait3A = arith.constant 0 : i32
      %dma_wait3A_92 = tpu.memref_slice %arg6[%add3A_78, %dma_wait3A] : memref<10000x128xf32, #tpu.memory_space<hbm>> -> memref<312x128xf32, #tpu.memory_space<hbm>>
      %dma_wait3A_93 = arith.constant 0 : i32
      %dma_wait3A_94 = tpu.memref_slice %arg15[%mul3A_28, %dma_wait3A_93] : memref<5008x128xf32, #tpu.memory_space<vmem_shared>> -> memref<312x128xf32, #tpu.memory_space<vmem_shared>>
      tpu.wait_dma2 semaphore(%run_scoped3A : memref<!tpu.dma_semaphore, #tpu.memory_space<semaphore_mem>>) src(%dma_wait3A_94 : memref<312x128xf32, #tpu.memory_space<vmem_shared>>) dst(%dma_wait3A_92 : memref<312x128xf32, #tpu.memory_space<hbm>>)
      tpu.yield
    }) : () -> ()
    %eq3A_79 = arith.constant 15 : i32
    %eq3A_80 = arith.cmpi eq, %arg1, %eq3A_79 : i32
    %convert_element_type3A_81 = arith.extui %eq3A_80 : i1 to i32
    %cond3A_82 = arith.constant 0 : i32
    %cond3A_83 = arith.cmpi ne, %convert_element_type3A_81, %cond3A_82 : i32
    scf.if %cond3A_83 {
      %mul3A_89 = arith.constant 5000 : i32
      %mul3A_90 = arith.muli %arg0, %mul3A_89 : i32
      %add3A_91 = arith.constant 4992 : i32
      %add3A_92 = arith.addi %mul3A_90, %add3A_91 : i32
      "tpu.region"() ({
        %run_scoped3A = tpu.sem_alloc : memref<!tpu.dma_semaphore, #tpu.memory_space<semaphore_mem>>
        %dma_start3A = arith.constant 0 : i32
        %dma_start3A_93 = tpu.memref_slice %arg6[%add3A_92, %dma_start3A] : memref<10000x128xf32, #tpu.memory_space<hbm>> -> memref<8x128xf32, #tpu.memory_space<hbm>>
        %dma_start3A_94 = arith.constant 4992 : i32
        %dma_start3A_95 = arith.constant 0 : i32
        %dma_start3A_96 = tpu.memref_slice %arg15[%dma_start3A_94, %dma_start3A_95] : memref<5008x128xf32, #tpu.memory_space<vmem_shared>> -> memref<8x128xf32, #tpu.memory_space<vmem_shared>>
        tpu.enqueue_dma source(%dma_start3A_96 : memref<8x128xf32, #tpu.memory_space<vmem_shared>>) target(%dma_start3A_93 : memref<8x128xf32, #tpu.memory_space<hbm>>) target_semaphore(%run_scoped3A : memref<!tpu.dma_semaphore, #tpu.memory_space<semaphore_mem>>)
        %dma_wait3A = arith.constant 0 : i32
        %dma_wait3A_97 = tpu.memref_slice %arg6[%add3A_92, %dma_wait3A] : memref<10000x128xf32, #tpu.memory_space<hbm>> -> memref<8x128xf32, #tpu.memory_space<hbm>>
        %dma_wait3A_98 = arith.constant 4992 : i32
        %dma_wait3A_99 = arith.constant 0 : i32
        %dma_wait3A_100 = tpu.memref_slice %arg15[%dma_wait3A_98, %dma_wait3A_99] : memref<5008x128xf32, #tpu.memory_space<vmem_shared>> -> memref<8x128xf32, #tpu.memory_space<vmem_shared>>
        tpu.wait_dma2 semaphore(%run_scoped3A : memref<!tpu.dma_semaphore, #tpu.memory_space<semaphore_mem>>) src(%dma_wait3A_100 : memref<8x128xf32, #tpu.memory_space<vmem_shared>>) dst(%dma_wait3A_97 : memref<8x128xf32, #tpu.memory_space<hbm>>)
        tpu.yield
      }) : () -> ()
    } else {
    }
    %eq3A_84 = arith.constant 0 : i32
    %eq3A_85 = arith.cmpi eq, %arg1, %eq3A_84 : i32
    %convert_element_type3A_86 = arith.extui %eq3A_85 : i1 to i32
    %cond3A_87 = arith.constant 0 : i32
    %cond3A_88 = arith.cmpi ne, %convert_element_type3A_86, %cond3A_87 : i32
    scf.if %cond3A_88 {
      "tpu.region"() ({
        %run_scoped3A = tpu.sem_alloc : memref<!tpu.dma_semaphore, #tpu.memory_space<semaphore_mem>>
        %dma_start3A = arith.constant 0 : i32
        %dma_start3A_89 = arith.constant 0 : i32
        %dma_start3A_90 = tpu.memref_slice %arg7[%arg0, %dma_start3A, %dma_start3A_89] : memref<2x80x128xf32, #tpu.memory_space<hbm>> -> memref<1x80x128xf32, #tpu.memory_space<hbm>>
        %dma_start3A_91 = tpu.memref_squeeze %dma_start3A_90 : memref<1x80x128xf32, #tpu.memory_space<hbm>> -> memref<80x128xf32, #tpu.memory_space<hbm>>
        tpu.enqueue_dma source(%arg16 : memref<80x128xf32, #tpu.memory_space<vmem_shared>>) target(%dma_start3A_91 : memref<80x128xf32, #tpu.memory_space<hbm>>) target_semaphore(%run_scoped3A : memref<!tpu.dma_semaphore, #tpu.memory_space<semaphore_mem>>)
        %dma_wait3A = arith.constant 0 : i32
        %dma_wait3A_92 = arith.constant 0 : i32
        %dma_wait3A_93 = tpu.memref_slice %arg7[%arg0, %dma_wait3A, %dma_wait3A_92] : memref<2x80x128xf32, #tpu.memory_space<hbm>> -> memref<1x80x128xf32, #tpu.memory_space<hbm>>
        %dma_wait3A_94 = tpu.memref_squeeze %dma_wait3A_93 : memref<1x80x128xf32, #tpu.memory_space<hbm>> -> memref<80x128xf32, #tpu.memory_space<hbm>>
        tpu.wait_dma2 semaphore(%run_scoped3A : memref<!tpu.dma_semaphore, #tpu.memory_space<semaphore_mem>>) src(%arg16 : memref<80x128xf32, #tpu.memory_space<vmem_shared>>) dst(%dma_wait3A_94 : memref<80x128xf32, #tpu.memory_space<hbm>>)
        tpu.yield
      }) : () -> ()
    } else {
    }
    return
  }
}

module attributes {stable_mosaic.version = 14 : i64} {
  func.func @_comb_body(%arg0: i32, %arg1: memref<1024x128xf32, #tpu.memory_space<vmem>>, %arg2: memref<2x1024xf32, #tpu.memory_space<vmem>>, %arg3: memref<1024x128xf32, #tpu.memory_space<vmem>>, %arg4: memref<128x128xf32, #tpu.memory_space<vmem>>, %arg5: memref<1x128xf32, #tpu.memory_space<vmem>>, %arg6: memref<1024x128xf32, #tpu.memory_space<vmem>>) attributes {dimension_semantics = [#tpu.dimension_semantics<arbitrary>], iteration_bounds = array<i64: 10>, scalar_prefetch = 0 : i64, scratch_operands = 0 : i64, tpu.core_type = #tpu.core_type<tc>, window_params = [{transform_indices = @transform_0, window_bounds = array<i64: 1024, 128>}, {transform_indices = @transform_1, window_bounds = array<i64: 2, 1024>}, {transform_indices = @transform_2, window_bounds = array<i64: 1024, 128>}, {pipeline_mode = #tpu.pipeline_mode<synchronous>, transform_indices = @transform_3, window_bounds = array<i64: 128, 128>}, {pipeline_mode = #tpu.pipeline_mode<synchronous>, transform_indices = @transform_4, window_bounds = array<i64: 1, 128>}, {transform_indices = @transform_5, window_bounds = array<i64: 1024, 128>}]} {
    %get3A = arith.constant 0 : index
    %get3A_0 = arith.constant 0 : index
    %get3A_1 = vector.load %arg2[%get3A, %get3A_0] : memref<2x1024xf32, #tpu.memory_space<vmem>>, vector<1x1024xf32>
    %get3A_2 = vector.shape_cast %get3A_1 : vector<1x1024xf32> to vector<1024xf32>
    %get3A_3 = arith.constant 1 : index
    %get3A_4 = arith.constant 0 : index
    %get3A_5 = vector.load %arg2[%get3A_3, %get3A_4] : memref<2x1024xf32, #tpu.memory_space<vmem>>, vector<1x1024xf32>
    %get3A_6 = vector.shape_cast %get3A_5 : vector<1x1024xf32> to vector<1024xf32>
    %add3A = arith.addf %get3A_2, %get3A_6 : vector<1024xf32>
    %max3A = arith.constant 1.000000e+00 : f32
    %max3A_7 = vector.broadcast %max3A : f32 to vector<1024xf32>
    %max3A_8 = arith.maximumf %add3A, %max3A_7 : vector<1024xf32>
    %broadcast_in_dim3A = vector.shape_cast %max3A_8 : vector<1024xf32> to vector<1024x1xf32>
    %get3A_9 = arith.constant 0 : index
    %get3A_10 = arith.constant 0 : index
    %get3A_11 = vector.load %arg3[%get3A_9, %get3A_10] : memref<1024x128xf32, #tpu.memory_space<vmem>>, vector<1024x128xf32>
    %get3A_12 = arith.constant 0 : index
    %get3A_13 = arith.constant 0 : index
    %get3A_14 = vector.load %arg4[%get3A_12, %get3A_13] : memref<128x128xf32, #tpu.memory_space<vmem>>, vector<128x128xf32>
    %dot_general3A = arith.constant dense<0.000000e+00> : vector<1024x128xf32>
    %dot_general3A_15 = tpu.matmul %get3A_11, %get3A_14, %dot_general3A {dimension_numbers = #tpu.dot_dimension_numbers<[1], [1], [0], [0], [0, 0, 1, 0], [], []>, transpose_lhs_hint = false} : vector<1024x128xf32>, vector<128x128xf32>, vector<1024x128xf32> -> vector<1024x128xf32>
    %get3A_16 = arith.constant 0 : index
    %get3A_17 = arith.constant 0 : index
    %get3A_18 = vector.load %arg1[%get3A_16, %get3A_17] : memref<1024x128xf32, #tpu.memory_space<vmem>>, vector<1024x128xf32>
    %div3A = vector.broadcast %broadcast_in_dim3A : vector<1024x1xf32> to vector<1024x128xf32>
    %div3A_19 = arith.divf %get3A_18, %div3A : vector<1024x128xf32>
    %add3A_20 = arith.addf %div3A_19, %dot_general3A_15 : vector<1024x128xf32>
    %get3A_21 = arith.constant 0 : index
    %get3A_22 = arith.constant 0 : index
    %get3A_23 = vector.load %arg5[%get3A_21, %get3A_22] : memref<1x128xf32, #tpu.memory_space<vmem>>, vector<1x128xf32>
    %add3A_24 = vector.broadcast %get3A_23 : vector<1x128xf32> to vector<1024x128xf32>
    %add3A_25 = arith.addf %add3A_20, %add3A_24 : vector<1024x128xf32>
    %swap3A = arith.constant 0 : index
    %swap3A_26 = arith.constant 0 : index
    %swap3A_27 = vector.load %arg6[%swap3A, %swap3A_26] : memref<1024x128xf32, #tpu.memory_space<vmem>>, vector<1024x128xf32>
    tpu.vector_store %arg6[%swap3A, %swap3A_26], %add3A_25 {strides = array<i32>} : memref<1024x128xf32, #tpu.memory_space<vmem>>, vector<1024x128xf32>,
    return
  }
  func.func @transform_0(%arg0: i32) -> (i32, i32) {
    %c0_i32 = arith.constant 0 : i32
    %c0_i32_0 = arith.constant 0 : i32
    return %arg0, %c0_i32 : i32, i32
  }
  func.func @transform_1(%arg0: i32) -> (i32, i32) {
    %c0_i32 = arith.constant 0 : i32
    %c0_i32_0 = arith.constant 0 : i32
    return %c0_i32, %arg0 : i32, i32
  }
  func.func @transform_2(%arg0: i32) -> (i32, i32) {
    %c0_i32 = arith.constant 0 : i32
    %c0_i32_0 = arith.constant 0 : i32
    return %arg0, %c0_i32 : i32, i32
  }
  func.func @transform_3(%arg0: i32) -> (i32, i32) {
    %c0_i32 = arith.constant 0 : i32
    %c0_i32_0 = arith.constant 0 : i32
    %c0_i32_1 = arith.constant 0 : i32
    return %c0_i32, %c0_i32_0 : i32, i32
  }
  func.func @transform_4(%arg0: i32) -> (i32, i32) {
    %c0_i32 = arith.constant 0 : i32
    %c0_i32_0 = arith.constant 0 : i32
    %c0_i32_1 = arith.constant 0 : i32
    return %c0_i32, %c0_i32_0 : i32, i32
  }
  func.func @transform_5(%arg0: i32) -> (i32, i32) {
    %c0_i32 = arith.constant 0 : i32
    %c0_i32_0 = arith.constant 0 : i32
    return %arg0, %c0_i32 : i32, i32
  }
}

module attributes {stable_mosaic.version = 14 : i64} {
  func.func @_mm_body(%arg0: i32, %arg1: memref<1000x128xf32, #tpu.memory_space<vmem>>, %arg2: memref<128x128xf32, #tpu.memory_space<vmem>>, %arg3: memref<1000x128xf32, #tpu.memory_space<vmem>>) attributes {dimension_semantics = [#tpu.dimension_semantics<arbitrary>], iteration_bounds = array<i64: 10>, scalar_prefetch = 0 : i64, scratch_operands = 0 : i64, tpu.core_type = #tpu.core_type<tc>, window_params = [{transform_indices = @transform_0, window_bounds = array<i64: 1000, 128>}, {pipeline_mode = #tpu.pipeline_mode<synchronous>, transform_indices = @transform_1, window_bounds = array<i64: 128, 128>}, {transform_indices = @transform_2, window_bounds = array<i64: 1000, 128>}]} {
    %get3A = arith.constant 0 : index
    %get3A_0 = arith.constant 0 : index
    %get3A_1 = vector.load %arg1[%get3A, %get3A_0] : memref<1000x128xf32, #tpu.memory_space<vmem>>, vector<1000x128xf32>
    %get3A_2 = arith.constant 0 : index
    %get3A_3 = arith.constant 0 : index
    %get3A_4 = vector.load %arg2[%get3A_2, %get3A_3] : memref<128x128xf32, #tpu.memory_space<vmem>>, vector<128x128xf32>
    %dot_general3A = arith.constant dense<0.000000e+00> : vector<1000x128xf32>
    %dot_general3A_5 = tpu.matmul %get3A_1, %get3A_4, %dot_general3A {dimension_numbers = #tpu.dot_dimension_numbers<[1], [1], [0], [0], [0, 0, 1, 0], [], []>, transpose_lhs_hint = false} : vector<1000x128xf32>, vector<128x128xf32>, vector<1000x128xf32> -> vector<1000x128xf32>
    %swap3A = arith.constant 0 : index
    %swap3A_6 = arith.constant 0 : index
    %swap3A_7 = vector.load %arg3[%swap3A, %swap3A_6] : memref<1000x128xf32, #tpu.memory_space<vmem>>, vector<1000x128xf32>
    tpu.vector_store %arg3[%swap3A, %swap3A_6], %dot_general3A_5 {strides = array<i32>} : memref<1000x128xf32, #tpu.memory_space<vmem>>, vector<1000x128xf32>,
    return
  }
  func.func @transform_0(%arg0: i32) -> (i32, i32) {
    %c0_i32 = arith.constant 0 : i32
    %c0_i32_0 = arith.constant 0 : i32
    return %arg0, %c0_i32 : i32, i32
  }
  func.func @transform_1(%arg0: i32) -> (i32, i32) {
    %c0_i32 = arith.constant 0 : i32
    %c0_i32_0 = arith.constant 0 : i32
    %c0_i32_1 = arith.constant 0 : i32
    return %c0_i32, %c0_i32_0 : i32, i32
  }
  func.func @transform_2(%arg0: i32) -> (i32, i32) {
    %c0_i32 = arith.constant 0 : i32
    %c0_i32_0 = arith.constant 0 : i32
    return %arg0, %c0_i32 : i32, i32
  }
}

</mosaic_0001>

<sc_bundles>
// kernel: kernel.5.cloned.1.call-start
scs
__scs_entry_jumppad:
0x0: {  	(pc) =	sbr.rel $0x88, $3  }
0x1: {  	(tag) =	ssettag $0x0;
	lr =	simm.s32 $0x1  }
0x2: {  	[smem:$0x3F9C] =	sst lr;
	_ =	strace $0xD0000000  }
0x3: {  	_ = 	snop  }
0x4: {  	_ = 	snop  }
0x5: {  	_ = 	snop  }
0x6: {  	_ = 	snop  }
0x7: {  	_ = 	snop  }
__scs_overlays_trampoline_lowered:
0x8: {  	[smem:$0x3FAB] =	sst s0  }
0x9: {  	[smem:$0x3FAC] =	sst s1  }
0xa: {  	[smem:$0x3FAD] =	sst s2  }
0xb: {  	[smem:$0x3FAE] =	sst s3  }
0xc: {  	[smem:$0x3FAF] =	sst s4  }
0xd: {  	[smem:$0x3FB0] =	sst s5  }
0xe: {  	[smem:$0x3FB1] =	sst s6  }
0xf: {  	[smem:$0x3FB2] =	sst s7  }
0x10: {  	[smem:$0x3FB3] =	sst s8  }
0x11: {  	[smem:$0x3FB4] =	sst s9;
	s0 =	simm.s32 @!p0 $0x0  }
0x12: {  	s1 =	sld [smem:$0x3F9A];
	s0 =	simm.s32 @p0 $0x1  }
0x13: {  	[smem:$0x3FB5] =	sst s0;
	s0 =	simm.s32 @!p1 $0x0  }
0x14: {  	s2 =	sld [smem:$0x3F99];
	s0 =	simm.s32 @p1 $0x1  }
0x15: {  	[smem:$0x3FB6] =	sst s0;
	s0 =	simm.s32 @!p2 $0x0  }
0x16: {  	s3 =	sld [smem:$0x3FDB];
	s0 =	simm.s32 @p2 $0x1  }
0x17: {  	s4 =	simm.s32 $0x1BF5;
	[smem:$0x3FB8] =	sst s0  }
0x18: {  	s0 =	sld [smem:$0x3F9B];
	_ =	swait.ge [sflag:s4], $0x0  }
0x19: {  	s7 =	sld [smem:$0x3F9C]  }
0x1a: {  	s8 =	sadd.s32 $0xFFFFE003, lr  }
0x1b: {  	s9 =	sadd.s32 $0xFFFFFEF7, lr;
	s5 =	simm.s32 $0xFFFFFFFF;
	p2 =	slt.u32 s8, $0xFFFFF086  }
0x1c: {  	p1 =	slt.u32 s9, $0xF7A;
	s5 =	simm.s32 @!p2 $0x0  }
0x1d: {  	s5 =	simm.s32 @p1 $0x1;
	p0 =	seq.s32 s7, s2  }
0x1e: {  	s7 =	smul.u32 @!p0 $0xF7A, s2;
	p2 =	seq.s32 @!p0 s5, $0x0  }
0x1f: {  	s9 =	smul.u32 $0xF7A, s1;
	s8 =	simm.s32 @!p0 $0x1BF5;
	p2 =	por !p2, p0  }
0x20: {  	[sflag:s8] =	ssyncset.s32 @!p0 $0xFFFFF086;
	s6 =	sadd.s32 @!p0 s3, s7;
	s7 =	simm.s32 @!p0 $0x108  }
0x21: {  	s3 =	sadd.s32 s3, s9;
	s6 =	sadd.s32 @!p0 $0x88, s6;
	s7 =	simm.s32 @p2 $0x1082  }
0x22: {  	[simem:s7], [sflag:s8] =	dma.local @!p0 [hbm:s6], $0xF7A  }
0x23: {  	s9 =	sor.u32 $0xD0000000, s2;
	s6 =	simm.s32 $0x108;
	_ =	swait.ge @!p0 [sflag:s8], $0x0  }
0x24: {  	s3 =	sadd.s32 $0x88, s3;
	s6 =	simm.s32 @!p1 $0x1082;
	[sflag:s4] =	ssyncset.s32 $0xFFFFF086  }
0x25: {  	[simem:s6], [sflag:s4] =	dma.local [hbm:s3], $0xF7A  }
0x26: {  	[smem:$0x3F9C] =	sst s1;
	(tag) =	ssettag s2;
	_ =	strace s9  }
0x27: {  	s1 =	sld [smem:$0x3FAC]  }
0x28: {  	s2 =	sld [smem:$0x3FAD]  }
0x29: {  	s4 =	sld [smem:$0x3FAF]  }
0x2a: {  	p0 =	seq.s32 s5, $0x0;
	s5 =	sld [smem:$0x3FB0]  }
0x2b: {  	s6 =	sld [smem:$0x3FB1]  }
0x2c: {  	s7 =	sld [smem:$0x3FB2]  }
0x2d: {  	s3 =	simm.s32 $0x108;
	s8 =	sld [smem:$0x3FB3]  }
0x2e: {  	s3 =	simm.s32 @!p0 $0x1082;
	s9 =	sld [smem:$0x3FB4]  }
0x2f: {  	lr =	sadd.s32 s0, s3;
	s0 =	sld [smem:$0x3FAB]  }
0x30: {  	s3 =	sld [smem:$0x3FAE]  }
0x31: {  	[smem:$0x3FB7] =	sst s10  }
0x32: {  	s10 =	sld [smem:$0x3FB5];
	_ =	sdelay $0x3  }
0x33: {  	p0 =	seq.s32 s10, $0x1;
	s10 =	sld [smem:$0x3FB7];
	_ =	sdelay $0x3  }
0x34: {  	[smem:$0x3FB7] =	sst s10  }
0x35: {  	s10 =	sld [smem:$0x3FB6];
	_ =	sdelay $0x3  }
0x36: {  	p1 =	seq.s32 s10, $0x1;
	s10 =	sld [smem:$0x3FB7];
	_ =	sdelay $0x3  }
0x37: {  	[smem:$0x3FB7] =	sst s10  }
0x38: {  	s10 =	sld [smem:$0x3FB8]  }
0x39: {  	_ = 	snop;
	(pc) =	sbr.ind lr, $3  }
0x3a: {  	_ = 	snop  }
0x3b: {  	_ = 	snop  }
0x3c: {  	p2 =	seq.s32 s10, $0x1;
	s10 =	sld [smem:$0x3FB7]  }
0x3d: {  	_ =	shalt  }
0x3e: {  	_ =	shalt  }
0x3f: {  	_ =	shalt  }
0x40: {  	_ =	shalt  }
0x41: {  	_ =	shalt  }
0x42: {  	_ =	shalt  }
0x43: {  	_ =	shalt  }
0x44: {  	_ =	shalt  }
0x45: {  	_ =	shalt  }
0x46: {  	_ =	shalt  }
0x47: {  	_ =	shalt  }
0x48: {  	_ =	shalt  }
0x49: {  	_ =	shalt  }
0x4a: {  	_ =	shalt  }
0x4b: {  	_ =	shalt  }
0x4c: {  	_ =	shalt  }
0x4d: {  	_ =	shalt  }
0x4e: {  	_ =	shalt  }
0x4f: {  	_ =	shalt  }
0x50: {  	_ =	shalt  }
0x51: {  	_ =	shalt  }
0x52: {  	_ =	shalt  }
0x53: {  	_ =	shalt  }
0x54: {  	_ =	shalt  }
0x55: {  	_ =	shalt  }
0x56: {  	_ =	shalt  }
0x57: {  	_ =	shalt  }
0x58: {  	_ =	shalt  }
0x59: {  	_ =	shalt  }
0x5a: {  	_ =	shalt  }
0x5b: {  	_ =	shalt  }
0x5c: {  	_ =	shalt  }
0x5d: {  	_ =	shalt  }
0x5e: {  	_ =	shalt  }
0x5f: {  	_ =	shalt  }
0x60: {  	_ =	shalt  }
0x61: {  	_ =	shalt  }
0x62: {  	_ =	shalt  }
0x63: {  	_ =	shalt  }
0x64: {  	_ =	shalt  }
0x65: {  	_ =	shalt  }
0x66: {  	_ =	shalt  }
0x67: {  	_ =	shalt  }
0x68: {  	_ =	shalt  }
0x69: {  	_ =	shalt  }
0x6a: {  	_ =	shalt  }
0x6b: {  	_ =	shalt  }
0x6c: {  	_ =	shalt  }
0x6d: {  	_ =	shalt  }
0x6e: {  	_ =	shalt  }
0x6f: {  	_ =	shalt  }
0x70: {  	_ =	shalt  }
0x71: {  	_ =	shalt  }
0x72: {  	_ =	shalt  }
0x73: {  	_ =	shalt  }
0x74: {  	_ =	shalt  }
0x75: {  	_ =	shalt  }
0x76: {  	_ =	shalt  }
0x77: {  	_ =	shalt  }
0x78: {  	_ =	shalt  }
0x79: {  	_ =	shalt  }
0x7a: {  	_ =	shalt  }
0x7b: {  	_ =	shalt  }
0x7c: {  	_ =	shalt  }
0x7d: {  	_ =	shalt  }
0x7e: {  	_ =	shalt  }
0x7f: {  	_ =	shalt  }
0x80: {  	_ =	shalt  }
0x81: {  	_ =	shalt  }
0x82: {  	_ =	shalt  }
0x83: {  	_ =	shalt  }
0x84: {  	_ =	shalt  }
0x85: {  	_ =	shalt  }
0x86: {  	_ =	shalt  }
0x87: {  	_ =	shalt  }
.Lfunc_end0:
.L_simem_size_0:
called_computation_lowered:
.L_overlay_start_0:
0x88: {  	s2 =	sld [smem:$0x3FD9]  }
0x89: {  	s3 =	sld [smem:$0x3FFE];
	_ =	sdelay $0x1  }
0x8a: {  	s1 =	srdreg.scid  }
0x8b: {  	s0 =	sand.u32 $0x1, s1  }
0x8c: {  	s17 =	sshll.u32 s0, $0xA;
	s2 =	sadd.s32 s3, s2  }
0x8d: {  	s2 =	sadd.s32 s2, s17  }
0x8e: {  	[smem:$0x3FC3] =	sst s2  }
0x8f: {  	_ = 	snop  }
0x90: {  	s2 =	sld [smem:$0x3FD0];
	(tm) =	ssettm $0x1  }
0x91: {  	s18 =	sld [smem:$0x3FFB];
	_ =	sdelay $0x3  }
0x92: {  	_ =	strace s18  }
0x93: {  	s3 =	sld [smem:$0x3FFC];
	_ =	sdelay $0x3  }
0x94: {  	_ =	strace s3  }
0x95: {  	s3 =	sld [smem:$0x3FFD];
	_ =	sdelay $0x3  }
0x96: {  	_ =	strace s3  }
0x97: {  	_ =	strace $0x8FFFFFFF  }
0x98: {  	s19 =	sld [smem:$0x3FDB];
	_ =	sdelay $0x1  }
0x99: {  	s4 =	simm.s32 $_scs_section_size  }
0x9a: {  	s5 =	simm.s32 $_size__tile_overlayer_lowered;
	s6 =	simm.s32 $_tile_overlayer_lowered  }
0x9b: {  	s22 =	simm.s32 $0x1BFF;
	s21 =	sshll.u32 s6, $0x1;
	s3 =	sadd.s32 s4, s19  }
0x9c: {  	s7 =	simm.s32 $0x0;
	s20 =	sshll.u32 s5, $0x1;
	s5 =	sadd.s32 s21, s3  }
0x9d: {  	[timem:s7], [sflag:s22] =	dma.local [hbm:s5], s20  }
0x9e: {  	_ =	swait.ge [sflag:s22], s20  }
0x9f: {  	s4 =	ssub.s32 $0x0, s20;
	[sflag:s22] =	ssyncset.done $0x0  }
0xa0: {  	[sflag:s22] =	ssyncadd.s32 s4;
	_ =	sdelay $0x1  }
0xa1: {  	s23 =	simm.s32 $0x1B8B  }
0xa2: {  	_ =	swait.ge [sflag:s23], $0x1  }
0xa3: {  	[sflag:s23] =	ssyncset.done $0x0  }
0xa4: {  	s25 =	simm.s32 $0x1B8E;
	s24 =	sld [smem:$0x3FFE];
	[sflag:s23] =	ssyncadd.s32 $0xFFFFFFFF  }
0xa5: {  	s26 =	simm.s32 $execute0_lowered;
	[smem:$0x3FD2] =	sst s25  }
0xa6: {  	s5 =	sshll.u32 s26, $0x1;
	_ =	strace $0x80000046;
	[dreg:$0x1] =	wrdreg $0xFFFFFFFF  }
0xa7: {  	s28 =	simm.s32 $_size_execute0_lowered;
	s3 =	sadd.s32 s3, s5;
	[dreg:$0x0] =	wrdreg $0x0  }
0xa8: {  	s5 =	sshll.u32 s28, $0x1;
	[dreg:$0x2] =	wrdreg s3  }
0xa9: {  	[dreg:$0x3] =	wrdreg s5  }
0xaa: {  	[dreg:$0x4] =	wrdreg $0xC0  }
0xab: {  	_ =	task [dreg:s7], $0x5FFFF  }
0xac: {  	[dreg:$0x1] =	wrdreg $0xFFFFFFFF  }
0xad: {  	[dreg:$0x0] =	wrdreg $0x60  }
0xae: {  	[dreg:$0x2] =	wrdreg s2  }
0xaf: {  	[dreg:$0x3] =	wrdreg s24  }
0xb0: {  	[dreg:$0x4] =	wrdreg $0xF6800  }
0xb1: {  	[dreg:$0x5] =	wrdreg $0x193000  }
0xb2: {  	[dreg:$0x6] =	wrdreg $0x9  }
0xb3: {  	_ =	task.clear_ibuf [dreg:s7], $0x7FFFF;
	_ =	strace $0x90000046  }
0xb4: {  	s29 =	simm.s32 $0x9;
	_ =	strace $0x80000048  }
0xb5: {  	_ =	swait.ge [sflag:s29], $0x1  }
0xb6: {  	[sflag:s29] =	ssyncadd.s32 $0xFFFFFFFF  }
0xb7: {  	_ =	strace $0x90000048  }
0xb8: {  	_ =	sfence  }
0xb9: {  	s30 =	sld [smem:$0x0];
	_ =	sdelay $0x2  }
0xba: {  	s31 =	sshll.u32 s1, $0xD;
	s1 =	sshrl.u32 s1, $0x2  }
0xbb: {  	s3 =	sand.u32 $0x4000, s31;
	s1 =	sadd.s32 s1, s30  }
0xbc: {  	s0 =	sor.u32 s3, s0;
	s1 =	sshll.u32 s1, $0x11  }
0xbd: {  	s0 =	sor.u32 s1, s0  }
0xbe: {  	s0 =	sadd.s32 $0x8F2B, s0  }
0xbf: {  	[sflag:s0] =	ssyncadd.remote.s32 $0x1  }
0xc0: {  	_ =	sfence.sel $0xFFFF  }
0xc1: {  	[dreg:$0x0] =	wrdreg $0xFFFFFFFF;
	(pc) =	sbr.abs _section_cstart, $3  }
0xc2: {  	[dreg:$0x1] =	wrdreg $0xFFFFFFFF  }
0xc3: {  	_ =	task.clear_ibuf [dreg:s7], $0x2FFFF;
	_ =	strace $0x9FFFFFFF  }
0xc4: {  	(tm) =	ssettm $0x7FFFFFFF  }
0xc5: {  	_ =	shalt  }
tec
execute0_lowered:
.L_overlay_start_1:
0x0: {  	(tag) =	ssettag $0x1  }
0x1: {  	s2 =	rddreg [dreg:$0x0]  }
0x2: {  	s0 =	rddreg [dreg:$0x1]  }
0x3: {  	s3 =	rddreg [dreg:$0x2]  }
0x4: {  	s4 =	stileid.u32;
	s20 =	rddreg [dreg:$0x3]  }
0x5: {  	s7 =	simm.s32 $0x0;
	s6 =	srdreg.scid;
	s14 =	simm.s32 $0x80  }
0x6: {  	s15 =	simm.s32 $0x400;
	s16 =	simm.s32 $0x2;
	s22 =	simm.s32 $0xCE00  }
0x7: {  	s28 =	simm.s32 $0x9D80;
	s31 =	simm.s32 $0x0;
	s1 =	sshrl.u32 s4, $0x3  }
0x8: {  	s5 =	sshll.u32 s4, $0x7;
	[smem:$0x7FF] =	sst s7;
	s23 =	sand.u32 $0x1, s6  }
0x9: {  	s6 =	sadd.s32 $0x14800, s0;
	s9 =	smul.u32 $0x138, s4;
	s11 =	sadd.s32 $0x16600, s0  }
0xa: {  	s10 =	smul.u32 $0x27000, s4;
	s30 =	sshll.u32 s4, $0x6;
	p0 =	seq.s32 s4, $0x0  }
0xb: {  	p4 =	sne.s32 s4, $0xF;
	s1 =	smul.u32 $0x27400, s1;
	s5 =	sand.u32 $0x380, s5  }
0xc: {  	_ =	strace $0x80000047;
	s24 =	smul.u32 $0x500, s23;
	s8 =	ssub.s32 $0x2, s23  }
0xd: {  	s17 =	smul.u32 $0x1388, s23;
	s18 =	sor.u32 $0x1C02, s30;
	p3 =	sne.s32 @!p0 s4, $0xF  }
0xe: {  	s20 =	sshrl.u32 @p0 s20, $0x3;
	s25 =	sshrl.u32 s8, $0x1;
	s26 =	sshrl.u32 s10, $0x2  }
0xf: {  	p2 =	por p3, p0;
	p3 =	por !p3, p0;
	s1 =	sor.u32 s5, s1  }
0x10: {  	s13 =	ssub.s32 s8, s25;
	s5 =	smul.u32 $0x9C400, s23;
	s9 =	sadd.s32 s9, s17  }
0x11: {  	s23 =	simm.s32 $0x1;
	s25 =	simm.s32 $0x9D00;
	s1 =	sshrl.u32 s1, $0x3  }
0x12: {  	s29 =	sshll.u32 s9, $0x4;
	s9 =	sadd.s32 $0x9C000, s3;
	s13 =	smax.u32 s13, $0x1  }
.Ltmp0:
0x13: {  	s1 =	sadd.s32 s1, s0;
	s0 =	sadd.s32 s24, s0;
	(pc) =	sbr.rel .LBB2_1-.Ltmp0, $4  }
0x14: {  	s5 =	sshrl.u32 s5, $0x3;
	s10 =	sadd.s32 s11, s29;
	s21 =	sshrl.u32 @!p2 s9, $0x3  }
0x15: {  	v0 =	vlaneseq.u32;
	v6 =	vimm.f32 $0.0e+00;
	v7 =	vimm.f32 $1.000000000e+00;
	s24 =	simm.s32 $0x60;
	s7 =	sadd.s32 $0xAA00, s1;
	s8 =	sadd.s32 $0xC00, s1  }
0x16: {  	v8 =	vimm.s32 $0x0;
	v2 =	vor.u32 $0x10, v0;
	v3 =	vor.u32 $0x20, v0;
	s1 =	sadd.s32 s26, s3;
	s5 =	sadd.s32 s11, s5;
	s12 =	sadd.s32 $0x15C00, s0  }
0x17: {  	v4 =	vor.u32 $0x30, v0;
	v5 =	vor.u32 $0x40, v0;
	v1 =	vmov s17;
	s26 =	simm.s32 $0x9E00;
	s11 =	sadd.s32 $0x13800, s5;
	s19 =	sshrl.u32 s1, $0x3  }
.LBB2_8:
0x18: {  	[sflag:s23] =	ssyncset.done $0x0  }
0x19: {  	[sflag:s23] =	ssyncadd.s32 $0xFFFFD000  }
0x1a: {  	[spmem:s3] =	stream.indirect.scatter.add.f32 [tilespmem:s26], [sflag:$0x2], $0x80, s28, s24, $0xb8;
	[tilespmem:$0x19580] =	vst v63  }
0x1b: {  	_ =	swait.ge [sflag:s16], $0x3000  }
0x1c: {  	[sflag:s16] =	ssyncset.done $0x0  }
0x1d: {  	[sflag:s16] =	ssyncadd.s32 $0xFFFFD000  }
.LBB2_9:
0x1e: {  	s1 =	rddreg [dreg:$0x3];
	s0 =	simm.s32 $0x50;
	s4 =	simm.s32 $0xF600  }
0x1f: {  	[spmem:s1] =	stream.indirect.scatter.add.f32 [tilespmem:s22], [sflag:$0x2], $0x80, s4, s0, $0xb8;
	[tilespmem:$0x19580] =	vst v63  }
0x20: {  	_ =	swait.ge [sflag:s16], $0x2800  }
0x21: {  	[sflag:s16] =	ssyncset.done $0x0  }
0x22: {  	[sflag:s16] =	ssyncadd.s32 $0xFFFFD800  }
0x23: {  	[bflag:$0x0] =	sbarrier.arrive $0xFFFF  }
0x24: {  	[hbm:s10], [sflag:s18] =	dma.local [spmem:s19], $0x1380  }
0x25: {  	_ =	swait.ge [sflag:s16], $0x1380  }
0x26: {  	[sflag:s16] =	ssyncset.done $0x0  }
0x27: {  	s0 =	sshrl.u32 @!p4 s9, $0x3;
	[sflag:s16] =	ssyncadd.s32 $0xFFFFEC80  }
0x28: {  	[hbm:s11], [sflag:s18] =	dma.local @!p4 [spmem:s0], $0x80  }
0x29: {  	s0 =	simm.s32 @!p4 $0x2  }
0x2a: {  	_ =	swait.ge @!p4 [sflag:s0], $0x80  }
0x2b: {  	s31 =	sadd.s32 $0x1, s31;
	[sflag:s0] =	ssyncset.done @!p4 $0x0  }
0x2c: {  	p1 =	sne.s32 s31, s13;
	[sflag:s0] =	ssyncadd.s32 @!p4 $0xFFFFFF80;
	s0 =	sshrl.u32 @p5 s1, $0x3  }
0x2d: {  	[hbm:s12], [sflag:s18] =	dma.local @p5 [spmem:s0], $0x500  }
.Ltmp1:
0x2e: {  	_ = 	snop;
	(pc) =	sbr.rel @!p1 .LBB2_10-.Ltmp1, $4  }
0x2f: {  	s0 =	simm.s32 @p5 $0x2  }
0x30: {  	_ =	swait.ge @p5 [sflag:s0], $0x500  }
0x31: {  	[sflag:s0] =	ssyncset.done @p5 $0x0  }
0x32: {  	[sflag:s0] =	ssyncadd.s32 @p5 $0xFFFFFB00  }
.LBB2_1:
0x33: {  	s0 =	simm.s32 $0x0  }
0x34: {  	[tilespmem:s0], [sflag:$0x2] =	stream.strided.gather [hbm4b:s7+s14], $0x4E80, s15, s14, $0x38;
	[tilespmem:$0x19580] =	vst v63  }
0x35: {  	_ =	swait.ge [sflag:s16], $0x4E80  }
0x36: {  	[sflag:s16] =	ssyncset.done $0x0  }
0x37: {  	s30 =	simm.s32 $0x4E80;
	[sflag:s16] =	ssyncadd.s32 $0xFFFFB180  }
0x38: {  	[tilespmem:s30], [sflag:$0x2] =	stream.strided.gather [hbm4b:s8+s14], $0x4E80, s15, s14, $0x38;
	[tilespmem:$0x19580] =	vst v63  }
0x39: {  	_ =	swait.ge [sflag:s16], $0x4E80  }
0x3a: {  	[sflag:s16] =	ssyncset.done $0x0  }
0x3b: {  	[sflag:s16] =	ssyncadd.s32 $0xFFFFB180  }
0x3c: {  	[tilespmem:$0xF600] =	vst v0  }
0x3d: {  	[tilespmem:$0xF610] =	vst v2  }
0x3e: {  	[tilespmem:$0xF620] =	vst v3  }
0x3f: {  	[tilespmem:$0xF630] =	vst v4  }
0x40: {  	s1 =	simm.s32 $0x200;
	s0 =	simm.s32 $0x0;
	[tilespmem:$0xF640] =	vst v5  }
.LBB2_2:
0x41: {  	p5 =	sne.s32 s1, $0x9E00;
	[tilespmem:s0+$0xCE70] =	vst v6  }
0x42: {  	[tilespmem:s0+$0xCE00] =	vst v6  }
0x43: {  	[tilespmem:s0+$0xCE10] =	vst v6  }
.Ltmp2:
0x44: {  	[tilespmem:s0+$0xCE20] =	vst v6;
	(pc) =	sbr.rel @p5 .LBB2_2-.Ltmp2, $4  }
0x45: {  	[tilespmem:s0+$0xCE30] =	vst v6  }
0x46: {  	[tilespmem:s0+$0xCE40] =	vst v6  }
0x47: {  	[tilespmem:s0+$0xCE50] =	vst v6  }
0x48: {  	[tilespmem:s0+$0xCE60] =	vst v6;
	s0 =	sshra.s32 s1, $0x2;
	s1 =	sadd.s32 $0x200, s1  }
0x49: {  	[tilespmem:s0+$0xCE70] =	vst v6  }
0x4a: {  	[tilespmem:s0+$0xCE00] =	vst v6  }
0x4b: {  	[tilespmem:s0+$0xCE10] =	vst v6  }
0x4c: {  	[tilespmem:s0+$0xCE20] =	vst v6  }
0x4d: {  	[tilespmem:s0+$0xCE30] =	vst v6  }
0x4e: {  	[tilespmem:s0+$0xCE40] =	vst v6  }
0x4f: {  	[tilespmem:s0+$0xCE50] =	vst v6  }
0x50: {  	[tilespmem:s0+$0xCE60] =	vst v6  }
0x51: {  	[spmem:s19], [sflag:s18] =	dma.local [hbm:s6], $0x1380  }
0x52: {  	_ =	swait.ge [sflag:s16], $0x1380  }
0x53: {  	[sflag:s16] =	ssyncset.done $0x0  }
0x54: {  	s0 =	simm.s32 @p0 $0x2;
	[sflag:s16] =	ssyncadd.s32 $0xFFFFEC80  }
0x55: {  	[spmem:s20], [sflag:s18] =	dma.local @p0 [hbm:s6], $0x500  }
0x56: {  	_ =	swait.ge @p0 [sflag:s0], $0x500  }
0x57: {  	[sflag:s0] =	ssyncset.done @p0 $0x0  }
0x58: {  	[sflag:s0] =	ssyncadd.s32 @p0 $0xFFFFFB00;
	s0 =	simm.s32 @!p2 $0x2  }
0x59: {  	[spmem:s21], [sflag:s18] =	dma.local @!p2 [hbm:s6], $0x100  }
0x5a: {  	_ =	swait.ge @!p2 [sflag:s0], $0x100  }
0x5b: {  	[sflag:s0] =	ssyncset.done @!p2 $0x0  }
0x5c: {  	[sflag:s0] =	ssyncadd.s32 @!p2 $0xFFFFFF00  }
0x5d: {  	s30 =	simm.s32 $0x0;
	[bflag:$0x0] =	sbarrier.arrive $0xFFFF  }
0x5e: {  	v9 =	vld [tilespmem:s30+$0x4E80];
	_ =	sdelay $0x4  }
0x5f: {  	v10 =	vsub.s32 v9, v1  }
0x60: {  	vm0 =	vlt.u32 v10, $0x1388  }
0x61: {  	v11 =	vsel vm0, $0x1, v8  }
0x62: {  	(xrf0) =	vadd.scan.msk.s32 $0xffff, v11;
	_ =	sdelay $0x1  }
0x63: {  	v11 =	vld [tilespmem:s30+$0x0];
	_ =	sdelay $0x3  }
0x64: {  	p6 =	por @!p2 $0x0, $0x0;
	p1 =	por $0x0, $0x0;
	s0 =	simm.s32 $0x0;
	[tilespmem:v9+s22+$0x0] =	vst.idx.add.f32.msk vm0, v7;
	v9, _, _ =	vpop (xrf0)  }
0x65: {  	p5 =	por @p0 $0x1, $0x1;
	p6 =	por @!p3 p1, p1;
	[tilespmem:s0+$0x0] =	vst.msk vm0, v11;
	(v2sf) =	vpush v9, $0xF  }
0x66: {  	s5 =	simm.s32 $0x10;
	s1 =	simm.s32 $0x80;
	p5 =	por @!p0 p6, p6;
	[tilespmem:s0+$0x4E80] =	vst.msk vm0, v10  }
.LBB2_4:
0x67: {  	p6 =	sne.s32 s1, $0x13840;
	v9 =	vld [tilespmem:s5+$0x4E80]  }
0x68: {  	v10 =	vld [tilespmem:s5+$0x0];
	_ =	sdelay $0x3  }
0x69: {  	v11 =	vsub.s32 v9, v1  }
0x6a: {  	vm0 =	vlt.u32 v11, $0x1388  }
0x6b: {  	v12 =	vsel vm0, $0x1, v8  }
0x6c: {  	(xrf0) =	vadd.scan.msk.s32 $0xffff, v12;
	_ =	sdelay $0x3  }
.Ltmp3:
0x6d: {  	[tilespmem:v9+s22+$0x0] =	vst.idx.add.f32.msk vm0, v7;
	(pc) =	sbr.rel @p6 .LBB2_4-.Ltmp3, $4  }
0x6e: {  	s5 =	spop (v2sf)  }
0x6f: {  	v9, _, _ =	vpop (xrf0);
	s0 =	sadd.s32 s0, s5  }
0x70: {  	[tilespmem:s0+$0x0] =	vst.msk vm0, v10;
	(v2sf) =	vpush v9, $0xF  }
0x71: {  	s5 =	sshra.s32 s1, $0x2;
	s1 =	sadd.s32 $0x40, s1;
	[tilespmem:s0+$0x4E80] =	vst.msk vm0, v11  }
0x72: {  	v9 =	vld [tilespmem:s5+$0x4E80];
	_ =	sdelay $0x4  }
0x73: {  	v10 =	vsub.s32 v9, v1  }
0x74: {  	vm0 =	vlt.u32 v10, $0x1388  }
0x75: {  	v11 =	vsel vm0, $0x1, v8  }
0x76: {  	(xrf0) =	vadd.scan.msk.s32 $0xffff, v11;
	_ =	sdelay $0x5  }
0x77: {  	v11, _, _ =	vpop (xrf0)  }
0x78: {  	(v2sf) =	vpush v11, $0xF;
	_ =	sdelay $0xd  }
0x79: {  	s1 =	spop (v2sf)  }
0x7a: {  	s0 =	sadd.s32 s0, s1;
	s30 =	spop (v2sf)  }
0x7b: {  	s17 =	sadd.s32 s0, s30  }
0x7c: {  	s1 =	sadd.s32 $0x5F, s17  }
0x7d: {  	s29 =	smulhi.u32 $0x2AAAAAAB, s1;
	s30 =	sshra.s32 s1, $0x1F  }
0x7e: {  	s30 =	smul.u32 $0x2AAAAAAB, s30;
	_ =	sdelay $0x1  }
0x7f: {  	s29 =	sadd.s32 s30, s29  }
0x80: {  	s30 =	sshrl.u32 s29, $0x1F;
	s29 =	sshra.s32 s29, $0x4  }
0x81: {  	s29 =	sadd.s32 s30, s29  }
0x82: {  	s30 =	smul.u32 $0xFFFFFFA0, s29  }
0x83: {  	s4 =	ssub.s32 $0xFFFFFFA1, s17  }
0x84: {  	p1 =	slt.s32 s1, $0x1;
	p6 =	sne.s32 s30, s4  }
0x85: {  	p1 =	por !p1, !p6  }
0x86: {  	s1 =	simm.s32 $0x1;
	p1 =	por !p1, !p1  }
0x87: {  	s1 =	simm.s32 @!p1 $0x0  }
0x88: {  	v11 =	vld [tilespmem:s5+$0x0];
	s5 =	ssub.s32 s29, s1  }
0x89: {  	p1 =	slt.s32 s5, $0x1  }
.Ltmp4:
0x8a: {  	_ = 	snop;
	(pc) =	sbr.rel @p1 .LBB2_9-.Ltmp4, $4  }
0x8b: {  	_ = 	snop  }
0x8c: {  	[tilespmem:v9+s22+$0x0] =	vst.idx.add.f32.msk vm0, v7  }
0x8d: {  	[tilespmem:s0+$0x0] =	vst.msk vm0, v11  }
0x8e: {  	[tilespmem:s0+$0x4E80] =	vst.msk vm0, v10  }
0x8f: {  	s4 =	simm.s32 $0x4EB0  }
0x90: {  	s0 =	simm.s32 $0x30;
	v10 =	vld [tilespmem:s4+$0xFFFFFFD0]  }
0x91: {  	v11 =	vld [tilespmem:s0+$0xFFFFFFD0]  }
0x92: {  	s1 =	simm.s32 $0x0  }
0x93: {  	v9 =	vmov s17;
	v12 =	vor.u32 s1, v0  }
0x94: {  	vm0 =	vlt.s32 v12, v9  }
0x95: {  	v10 =	vnsel vm0, $0x1388, v10  }
0x96: {  	v11 =	vnsel vm0, $0x0, v11;
	[tilespmem:$0x9D80] =	vst v10  }
0x97: {  	[tilespmem:$0x9D00] =	vst v11  }
0x98: {  	v10 =	vld [tilespmem:s0+$0xFFFFFFE0]  }
0x99: {  	v11 =	vld [tilespmem:s4+$0xFFFFFFE0]  }
0x9a: {  	s30 =	simm.s32 $0x10  }
0x9b: {  	v59 =	vor.u32 s30, v0  }
0x9c: {  	vm11 =	vlt.s32 v59, v9  }
0x9d: {  	v10 =	vnsel vm11, $0x0, v10  }
0x9e: {  	[tilespmem:$0x9D10] =	vst v10;
	v10 =	vnsel vm11, $0x1388, v11  }
0x9f: {  	[tilespmem:$0x9D90] =	vst v10  }
0xa0: {  	v10 =	vld [tilespmem:s0+$0xFFFFFFF0]  }
0xa1: {  	v11 =	vld [tilespmem:s4+$0xFFFFFFF0]  }
0xa2: {  	s29 =	simm.s32 $0x20  }
0xa3: {  	v60 =	vor.u32 s29, v0  }
0xa4: {  	vm12 =	vlt.s32 v60, v9  }
0xa5: {  	v10 =	vnsel vm12, $0x0, v10  }
0xa6: {  	[tilespmem:$0x9D20] =	vst v10;
	v10 =	vnsel vm12, $0x1388, v11  }
0xa7: {  	[tilespmem:$0x9DA0] =	vst v10  }
0xa8: {  	v10 =	vld [tilespmem:s0+$0x0]  }
0xa9: {  	v11 =	vld [tilespmem:s4+$0x0]  }
0xaa: {  	s30 =	simm.s32 $0x30  }
0xab: {  	v61 =	vor.u32 s30, v0  }
0xac: {  	vm13 =	vlt.s32 v61, v9  }
0xad: {  	v10 =	vnsel vm13, $0x0, v10  }
0xae: {  	[tilespmem:$0x9D30] =	vst v10;
	v10 =	vnsel vm13, $0x1388, v11  }
0xaf: {  	[tilespmem:$0x9DB0] =	vst v10  }
0xb0: {  	v10 =	vld [tilespmem:s0+$0x10]  }
0xb1: {  	v11 =	vld [tilespmem:s4+$0x10]  }
0xb2: {  	s29 =	simm.s32 $0x40  }
0xb3: {  	v62 =	vor.u32 s29, v0  }
0xb4: {  	vm14 =	vlt.s32 v62, v9  }
0xb5: {  	v10 =	vnsel vm14, $0x0, v10  }
0xb6: {  	[tilespmem:$0x9D40] =	vst v10;
	v10 =	vnsel vm14, $0x1388, v11  }
0xb7: {  	[tilespmem:$0x9DC0] =	vst v10  }
0xb8: {  	v10 =	vld [tilespmem:s0+$0x20]  }
0xb9: {  	v11 =	vld [tilespmem:s4+$0x20]  }
0xba: {  	s30 =	simm.s32 $0x50  }
0xbb: {  	v63 =	vor.u32 s30, v0  }
0xbc: {  	p1 =	sne.s32 s5, $0x1;
	vm15 =	vlt.s32 v63, v9  }
.Ltmp5:
0xbd: {  	v10 =	vnsel vm15, $0x0, v10;
	(pc) =	sbr.rel @!p1 .LBB2_8-.Ltmp5, $4  }
0xbe: {  	[tilespmem:$0x9D50] =	vst v10;
	v10 =	vnsel vm15, $0x1388, v11  }
0xbf: {  	[tilespmem:$0x9DD0] =	vst v10  }
0xc0: {  	[tilespmem:s26], [sflag:$0x1] =	stream.indirect.gather [hbm4b:s2+s24], $0x80, s25, s24, $0xb8;
	[tilespmem:$0x19580] =	vst v63  }
0xc1: {  	s5 =	sadd.s32 $0xFFFFFFFF, s5;
	s17 =	simm.s32 $0x4F10;
	_ =	swait.ge [sflag:s23], $0x3000  }
.LBB2_7:
0xc2: {  	[sflag:s23] =	ssyncset.done $0x0;
	s1 =	sadd.s32 $0x60, s1;
	s0 =	sadd.s32 $0x60, s0  }
0xc3: {  	p6 =	sne.s32 s5, $0x1;
	s5 =	sadd.s32 $0xFFFFFFFF, s5;
	[sflag:s23] =	ssyncadd.s32 $0xFFFFD000  }
0xc4: {  	[spmem:s3] =	stream.indirect.scatter.add.f32 [tilespmem:s26], [sflag:$0x2], $0x80, s28, s24, $0xb8;
	[tilespmem:$0x19580] =	vst v63  }
0xc5: {  	_ =	swait.ge [sflag:s16], $0x3000  }
0xc6: {  	[sflag:s16] =	ssyncset.done $0x0  }
0xc7: {  	[sflag:s16] =	ssyncadd.s32 $0xFFFFD000  }
0xc8: {  	v10 =	vld [tilespmem:s17+$0xFFFFFFD0]  }
0xc9: {  	v11 =	vld [tilespmem:s0+$0xFFFFFFD0];
	_ =	sdelay $0x1  }
0xca: {  	v12 =	vor.u32 s1, v0  }
0xcb: {  	vm0 =	vlt.s32 v12, v9  }
0xcc: {  	v10 =	vnsel vm0, $0x1388, v10  }
0xcd: {  	v11 =	vnsel vm0, $0x0, v11;
	[tilespmem:$0x9D80] =	vst v10  }
0xce: {  	[tilespmem:$0x9D00] =	vst v11  }
0xcf: {  	v10 =	vld [tilespmem:s0+$0xFFFFFFE0]  }
0xd0: {  	v11 =	vld [tilespmem:s17+$0xFFFFFFE0]  }
0xd1: {  	s4 =	sadd.s32 $0x10, s1  }
0xd2: {  	v12 =	vor.u32 s4, v0  }
0xd3: {  	vm0 =	vlt.s32 v12, v9  }
0xd4: {  	v10 =	vnsel vm0, $0x0, v10  }
0xd5: {  	[tilespmem:$0x9D10] =	vst v10;
	v10 =	vnsel vm0, $0x1388, v11  }
0xd6: {  	[tilespmem:$0x9D90] =	vst v10  }
0xd7: {  	v10 =	vld [tilespmem:s0+$0xFFFFFFF0]  }
0xd8: {  	s4 =	sadd.s32 $0x20, s1;
	v11 =	vld [tilespmem:s17+$0xFFFFFFF0]  }
0xd9: {  	v12 =	vor.u32 s4, v0  }
0xda: {  	vm0 =	vlt.s32 v12, v9;
	_ =	sdelay $0x1  }
0xdb: {  	v10 =	vnsel vm0, $0x0, v10  }
0xdc: {  	[tilespmem:$0x9D20] =	vst v10;
	v10 =	vnsel vm0, $0x1388, v11  }
0xdd: {  	[tilespmem:$0x9DA0] =	vst v10  }
0xde: {  	s4 =	sadd.s32 $0x30, s1;
	v10 =	vld [tilespmem:s0+$0x0]  }
0xdf: {  	v11 =	vor.u32 s4, v0;
	v12 =	vld [tilespmem:s17+$0x0]  }
0xe0: {  	vm0 =	vlt.s32 v11, v9;
	_ =	sdelay $0x2  }
0xe1: {  	v10 =	vnsel vm0, $0x0, v10  }
0xe2: {  	[tilespmem:$0x9D30] =	vst v10;
	v10 =	vnsel vm0, $0x1388, v12  }
0xe3: {  	s4 =	sadd.s32 $0x40, s1;
	[tilespmem:$0x9DB0] =	vst v10  }
0xe4: {  	v10 =	vor.u32 s4, v0;
	v11 =	vld [tilespmem:s0+$0x10]  }
0xe5: {  	vm0 =	vlt.s32 v10, v9;
	v10 =	vld [tilespmem:s17+$0x10];
	_ =	sdelay $0x3  }
0xe6: {  	v11 =	vnsel vm0, $0x0, v11  }
0xe7: {  	s4 =	sadd.s32 $0x50, s1;
	[tilespmem:$0x9D40] =	vst v11;
	v10 =	vnsel vm0, $0x1388, v10  }
0xe8: {  	[tilespmem:$0x9DC0] =	vst v10;
	v10 =	vor.u32 s4, v0  }
0xe9: {  	vm0 =	vlt.s32 v10, v9;
	v10 =	vld [tilespmem:s0+$0x20]  }
0xea: {  	v11 =	vld [tilespmem:s17+$0x20];
	_ =	sdelay $0x3  }
.Ltmp6:
0xeb: {  	v10 =	vnsel vm0, $0x0, v10;
	(pc) =	sbr.rel @p6 .LBB2_7-.Ltmp6, $4  }
0xec: {  	[tilespmem:$0x9D50] =	vst v10;
	v10 =	vnsel vm0, $0x1388, v11  }
0xed: {  	[tilespmem:$0x9DD0] =	vst v10  }
0xee: {  	[tilespmem:s26], [sflag:$0x1] =	stream.indirect.gather [hbm4b:s2+s24], $0x80, s25, s24, $0xb8;
	[tilespmem:$0x19580] =	vst v63  }
0xef: {  	s17 =	sadd.s32 $0x60, s17;
	_ =	swait.ge [sflag:s23], $0x3000  }
.Ltmp7:
0xf0: {  	_ = 	snop;
	(pc) =	sbr.rel .LBB2_8-.Ltmp7, $1  }
0xf1: {  	_ =	sdelay $0x3  }
.LBB2_10:
0xf2: {  	_ =	sfence.sel $0x180000  }
0xf3: {  	[bflag:$0x0] =	sbarrier.arrive $0xFFFF  }
0xf4: {  	_ =	strace $0x90000047  }
0xf5: {  	s0 =	stileid.u32;
	[bflag:$0x2] =	sbarrier.arrive $0xFFFF  }
0xf6: {  	p0 =	sne.s32 s0, $0x0;
	s0 =	rddreg [dreg:$0x4]  }
0xf7: {  	s0 =	sadd.s32 @!p0 $0x100000, s0  }
0xf8: {  	[sflag:s0] =	ssyncadd.tile.s32 @!p0 $0x1;
	_ =	shalt  }
.Lfunc_end2:
_tile_overlayer_lowered:
.L_overlay_start_2:
0xf9: {  	(tag) =	ssettag $0x2  }
0xfa: {  	s0 =	rddreg [dreg:$0x0];
	s2 =	stileid.u32  }
0xfb: {  	s1 =	rddreg [dreg:$0x1];
	p0 =	sne.s32 s2, $0x0  }
0xfc: {  	s3 =	rddreg [dreg:$0x2];
	[bflag:$0x3] =	sbarrier.arrive $0xFFFF;
	s2 =	simm.s32 @!p0 $0x1C02  }
0xfd: {  	[timem:s3], [sflag:s2] =	dma.local @!p0 [hbm:s0], s1  }
0xfe: {  	s0 =	simm.s32 @!p0 $0x2  }
0xff: {  	_ =	swait.ge @!p0 [sflag:s0], s1  }
0x100: {  	s1 =	ssub.s32 @!p0 $0x0, s1;
	[sflag:s0] =	ssyncset.done @!p0 $0x0  }
0x101: {  	[sflag:s0] =	ssyncadd.s32 @!p0 s1  }
0x102: {  	[bflag:$0x3] =	sbarrier.arrive $0xFFFF  }
0x103: {  	_ =	shalt  }

</sc_bundles>
